<compile_context>
chip_gen: v7x
topology: tpu7x:2x2x1
jax: 0.10.2.dev20260603
libtpu: 0.0.44.dev20260713+nightly
codegen_flags: <defaults>
</compile_context>

<pallas_src>
import functools

import jax
import jax.numpy as jnp
from jax import lax
from jax.experimental import pallas as pl
from jax.experimental.pallas import tpu as pltpu
from jax.experimental.pallas import tpu_sc as plsc

_LANES = 16


@functools.lru_cache(maxsize=None)
def _make_sc_embed(B, D, NC, NS):
    NW = NC * NS
    b_per_w = B // NW
    sizes = (32, 24, 8)
    offs = (0, 32, 56)
    slots = (0, 1, 0)
    mesh = plsc.VectorSubcoreMesh(core_axis_name="c", subcore_axis_name="s")

    @functools.partial(
        pl.kernel,
        mesh=mesh,
        out_type=jax.ShapeDtypeStruct((B, D), jnp.float32),
        scratch_types=[
            pltpu.VMEM((b_per_w,), jnp.int32),
            pltpu.VMEM((D,), jnp.int32),
            pltpu.VMEM((32, D), jnp.float32),
            pltpu.VMEM((24, D), jnp.float32),
            pltpu.SemaphoreType.DMA,
            pltpu.SemaphoreType.DMA,
            pltpu.SemaphoreType.DMA,
            pltpu.SemaphoreType.DMA,
        ],
    )
    def k(ids_hbm, table_hbm, pos_hbm, out_hbm,
          idx_v, pos_v, buf0, buf1, g0, g1, o0, o1):
        bufs = (buf0, buf1)
        gsem = (g0, g1)
        osem = (o0, o1)
        wid = lax.axis_index("s") * NC + lax.axis_index("c")
        base = wid * b_per_w
        pltpu.sync_copy(ids_hbm.at[pl.ds(base, b_per_w)], idx_v)
        pltpu.sync_copy(pos_hbm.at[0], pos_v)

        def add_pos(buf, nrows):
            def col_body(v, _):
                sl = pl.ds(v * _LANES, _LANES)
                pv = pos_v[sl].astype(jnp.float32)

                def row_body(r, _):
                    buf[r, sl] = buf[r, sl] + pv
                    return 0

                lax.fori_loop(0, nrows, row_body, 0, unroll=4)
                return 0

            lax.fori_loop(0, D // _LANES, col_body, 0)

        def start_gather(c):
            s = slots[c]
            return pltpu.async_copy(
                table_hbm.at[idx_v.at[pl.ds(offs[c], sizes[c])]],
                bufs[s].at[pl.ds(0, sizes[c])], gsem[s])

        n_chunks = len(sizes)
        gcp = [None, None]
        ocp = [None, None]
        gcp[0] = start_gather(0)
        for c in range(n_chunks):
            s = slots[c]
            gcp[s].wait()
            nxt = c + 1
            if nxt < n_chunks:
                sp = slots[nxt]
                if ocp[sp] is not None:
                    ocp[sp].wait()
                gcp[sp] = start_gather(nxt)
            add_pos(bufs[s], sizes[c])
            ocp[s] = pltpu.async_copy(
                bufs[s].at[pl.ds(0, sizes[c])],
                out_hbm.at[pl.ds(base + offs[c], sizes[c])], osem[s])
        for s in range(2):
            if ocp[s] is not None:
                ocp[s].wait()

    return k


def kernel(input_ids, embeddings, positional_id):
    B = input_ids.shape[0]
    D = embeddings.shape[1]
    info = plsc.get_sparse_core_info()
    NC, NS = info.num_cores, info.num_subcores
    if input_ids.dtype != jnp.int32:
        input_ids = input_ids.astype(jnp.int32)
    k = _make_sc_embed(B, D, NC, NS)
    return k(input_ids, embeddings, positional_id)

# --- scband reference (transcript-rebuilt; emitter-appended) ---
"""Pipeline reference for scband-ioembedding-19344532702131 (READ-ONLY COPY).

The authoritative reference and input builder live on the scoring server;
editing this copy changes nothing except your own understanding.
"""

import jax, jax.numpy as jnp
import numpy as np

VOCAB = 100000
D_MODEL = 2048
MAX_POSITIONS = 2048
SEQ_LEN = 2048
PADDING_ID = 0


def setup_inputs(seed: int = 0) -> dict:
    key = jax.random.key(seed)
    k1, k2 = jax.random.split(key)
    input_ids = jax.random.randint(k1, (SEQ_LEN,), 0, VOCAB, dtype=jnp.int64 if jax.config.jax_enable_x64 else jnp.int32)
    # nn.Embedding weight, with padding row zeroed (padding_idx semantics)
    embeddings = jax.random.normal(k2, (VOCAB, D_MODEL), dtype=jnp.float32)
    embeddings = embeddings.at[PADDING_ID].set(0.0)
    # registered buffer: positional ids, shape [1, max_positions]
    positional_id = jnp.arange(MAX_POSITIONS).reshape(1, -1)
    return {"input_ids": input_ids, "embeddings": embeddings, "positional_id": positional_id}


def reference(input_ids, embeddings, positional_id):
    # model_embedding = self.embeddings(input_ids)
    model_embedding = jnp.take(embeddings, input_ids, axis=0)  # [L, d_model]
    # position_embedding = self.position_id[:, :input_ids.size()[0]]
    position_embedding = positional_id[:, : input_ids.shape[0]]  # [1, L]
    # faithful to original: raw positional ids added (broadcast over last dim;
    # requires d_model == seq_len as in the chosen shapes)
    return model_embedding + position_embedding

if __name__ == "__main__":
    import jax
    _d = setup_inputs()
    print(jax.jit(kernel)(*tuple(_d.values())))

</pallas_src>

<mosaic_0001>
#map = affine_map<(d0, d1) -> (0)>
#map1 = affine_map<(d0, d1) -> (0, 0)>
module attributes {stable_mosaic.version = 14 : i64} {
  func.func @k(%arg0: i32, %arg1: i32, %arg2: memref<2048xi32, #tpu.memory_space<hbm>>, %arg3: memref<100000x2048xf32, #tpu.memory_space<hbm>>, %arg4: memref<1x2048xi32, #tpu.memory_space<hbm>>, %arg5: memref<2048x2048xf32, #tpu.memory_space<hbm>>, %arg6: memref<64xi32, #tpu.memory_space<vmem>>, %arg7: memref<2048xi32, #tpu.memory_space<vmem>>, %arg8: memref<32x2048xf32, #tpu.memory_space<vmem>>, %arg9: memref<24x2048xf32, #tpu.memory_space<vmem>>, %arg10: memref<!tpu.dma_semaphore, #tpu.memory_space<semaphore_mem>>, %arg11: memref<!tpu.dma_semaphore, #tpu.memory_space<semaphore_mem>>, %arg12: memref<!tpu.dma_semaphore, #tpu.memory_space<semaphore_mem>>, %arg13: memref<!tpu.dma_semaphore, #tpu.memory_space<semaphore_mem>>) attributes {dimension_semantics = [#tpu.dimension_semantics<core_parallel>, #tpu.dimension_semantics<subcore_parallel>], iteration_bounds = array<i64: 2, 16>, scalar_prefetch = 0 : i64, scratch_operands = 8 : i64, tpu.core_type = #tpu.core_type<sc_vector_subcore>, window_params = [{transform_indices = #map}, {transform_indices = #map1}, {transform_indices = #map1}, {transform_indices = #map1}]} {
    %mul3A = arith.constant 2 : i32
    %mul3A_0 = arith.muli %arg1, %mul3A : i32
    %add3A = arith.addi %mul3A_0, %arg0 : i32
    %mul3A_1 = arith.constant 64 : i32
    %mul3A_2 = arith.muli %add3A, %mul3A_1 : i32
    "tpu.region"() ({
      %run_scoped3A_135 = tpu.sem_alloc : memref<!tpu.dma_semaphore, #tpu.memory_space<semaphore_mem>>
      %dma_start3A_136 = tpu.memref_slice %arg2[%mul3A_2] : memref<2048xi32, #tpu.memory_space<hbm>> -> memref<64xi32, #tpu.memory_space<hbm>>
      %dma_start3A_137 = tpu.memref_slice %arg2[%mul3A_2] : memref<2048xi32, #tpu.memory_space<hbm>> -> memref<64xi32, #tpu.memory_space<hbm>>
      tpu.enqueue_dma source(%dma_start3A_137 : memref<64xi32, #tpu.memory_space<hbm>>) target(%arg6 : memref<64xi32, #tpu.memory_space<vmem>>) target_semaphore(%run_scoped3A_135 : memref<!tpu.dma_semaphore, #tpu.memory_space<semaphore_mem>>)
      %dma_wait3A_138 = tpu.memref_slice %arg2[%mul3A_2] : memref<2048xi32, #tpu.memory_space<hbm>> -> memref<64xi32, #tpu.memory_space<hbm>>
      %dma_wait3A_139 = tpu.memref_slice %arg2[%mul3A_2] : memref<2048xi32, #tpu.memory_space<hbm>> -> memref<64xi32, #tpu.memory_space<hbm>>
      tpu.wait_dma2 semaphore(%run_scoped3A_135 : memref<!tpu.dma_semaphore, #tpu.memory_space<semaphore_mem>>) src(%dma_wait3A_139 : memref<64xi32, #tpu.memory_space<hbm>>) dst(%arg6 : memref<64xi32, #tpu.memory_space<vmem>>)
      tpu.yield
    }) : () -> ()
    %run_scoped3A = arith.constant 0 : i32
    "tpu.region"() ({
      %run_scoped3A_135 = tpu.sem_alloc : memref<!tpu.dma_semaphore, #tpu.memory_space<semaphore_mem>>
      %dma_start3A_136 = arith.constant 0 : i32
      %dma_start3A_137 = tpu.memref_slice %arg4[%run_scoped3A, %dma_start3A_136] : memref<1x2048xi32, #tpu.memory_space<hbm>> -> memref<1x2048xi32, #tpu.memory_space<hbm>>
      %dma_start3A_138 = tpu.memref_squeeze %dma_start3A_137 : memref<1x2048xi32, #tpu.memory_space<hbm>> -> memref<2048xi32, #tpu.memory_space<hbm>>
      %dma_start3A_139 = arith.constant 0 : i32
      %dma_start3A_140 = tpu.memref_slice %arg4[%run_scoped3A, %dma_start3A_139] : memref<1x2048xi32, #tpu.memory_space<hbm>> -> memref<1x2048xi32, #tpu.memory_space<hbm>>
      %dma_start3A_141 = tpu.memref_squeeze %dma_start3A_140 : memref<1x2048xi32, #tpu.memory_space<hbm>> -> memref<2048xi32, #tpu.memory_space<hbm>>
      tpu.enqueue_dma source(%dma_start3A_141 : memref<2048xi32, #tpu.memory_space<hbm>>) target(%arg7 : memref<2048xi32, #tpu.memory_space<vmem>>) target_semaphore(%run_scoped3A_135 : memref<!tpu.dma_semaphore, #tpu.memory_space<semaphore_mem>>)
      %dma_wait3A_142 = arith.constant 0 : i32
      %dma_wait3A_143 = tpu.memref_slice %arg4[%run_scoped3A, %dma_wait3A_142] : memref<1x2048xi32, #tpu.memory_space<hbm>> -> memref<1x2048xi32, #tpu.memory_space<hbm>>
      %dma_wait3A_144 = tpu.memref_squeeze %dma_wait3A_143 : memref<1x2048xi32, #tpu.memory_space<hbm>> -> memref<2048xi32, #tpu.memory_space<hbm>>
      %dma_wait3A_145 = arith.constant 0 : i32
      %dma_wait3A_146 = tpu.memref_slice %arg4[%run_scoped3A, %dma_wait3A_145] : memref<1x2048xi32, #tpu.memory_space<hbm>> -> memref<1x2048xi32, #tpu.memory_space<hbm>>
      %dma_wait3A_147 = tpu.memref_squeeze %dma_wait3A_146 : memref<1x2048xi32, #tpu.memory_space<hbm>> -> memref<2048xi32, #tpu.memory_space<hbm>>
      tpu.wait_dma2 semaphore(%run_scoped3A_135 : memref<!tpu.dma_semaphore, #tpu.memory_space<semaphore_mem>>) src(%dma_wait3A_147 : memref<2048xi32, #tpu.memory_space<hbm>>) dst(%arg7 : memref<2048xi32, #tpu.memory_space<vmem>>)
      tpu.yield
    }) : () -> ()
    %dma_start3A = arith.constant 0 : i32
    %dma_start3A_3 = arith.constant 0 : i32
    %dma_start3A_4 = tpu.memref_slice %arg8[%dma_start3A, %dma_start3A_3] : memref<32x2048xf32, #tpu.memory_space<vmem>> -> memref<32x2048xf32, #tpu.memory_space<vmem>>
    %dma_start3A_5 = arith.constant 0 : i32
    %dma_start3A_6 = tpu.memref_slice %arg6[%dma_start3A_5] : memref<64xi32, #tpu.memory_space<vmem>> -> memref<32xi32, #tpu.memory_space<vmem>>
    %dma_start3A_7 = arith.constant 0 : i32
    %dma_start3A_8 = arith.constant 0 : i32
    %dma_start3A_9 = tpu.memref_slice %arg3[%dma_start3A_7, %dma_start3A_8] : memref<100000x2048xf32, #tpu.memory_space<hbm>> -> memref<100000x2048xf32, #tpu.memory_space<hbm>>
    tpu.enqueue_indirect_dma source(%dma_start3A_9 : memref<100000x2048xf32, #tpu.memory_space<hbm>>) target(%dma_start3A_4 : memref<32x2048xf32, #tpu.memory_space<vmem>>) offsets(%dma_start3A_6 : memref<32xi32, #tpu.memory_space<vmem>>) semaphore(%arg10 : memref<!tpu.dma_semaphore, #tpu.memory_space<semaphore_mem>>)
    %dma_wait3A = arith.constant 0 : i32
    %dma_wait3A_10 = arith.constant 0 : i32
    %dma_wait3A_11 = tpu.memref_slice %arg8[%dma_wait3A, %dma_wait3A_10] : memref<32x2048xf32, #tpu.memory_space<vmem>> -> memref<32x2048xf32, #tpu.memory_space<vmem>>
    %dma_wait3A_12 = arith.constant 0 : i32
    %dma_wait3A_13 = tpu.memref_slice %arg6[%dma_wait3A_12] : memref<64xi32, #tpu.memory_space<vmem>> -> memref<32xi32, #tpu.memory_space<vmem>>
    %dma_wait3A_14 = arith.constant 0 : i32
    %dma_wait3A_15 = arith.constant 0 : i32
    %dma_wait3A_16 = tpu.memref_slice %arg3[%dma_wait3A_14, %dma_wait3A_15] : memref<100000x2048xf32, #tpu.memory_space<hbm>> -> memref<100000x2048xf32, #tpu.memory_space<hbm>>
    tpu.wait_indirect_dma semaphore(%arg10 : memref<!tpu.dma_semaphore, #tpu.memory_space<semaphore_mem>>) src(%dma_wait3A_16 : memref<100000x2048xf32, #tpu.memory_space<hbm>>) dst(%dma_wait3A_11 : memref<32x2048xf32, #tpu.memory_space<vmem>>)
    %dma_start3A_17 = arith.constant 0 : i32
    %dma_start3A_18 = arith.constant 0 : i32
    %dma_start3A_19 = tpu.memref_slice %arg9[%dma_start3A_17, %dma_start3A_18] : memref<24x2048xf32, #tpu.memory_space<vmem>> -> memref<24x2048xf32, #tpu.memory_space<vmem>>
    %dma_start3A_20 = arith.constant 32 : i32
    %dma_start3A_21 = tpu.memref_slice %arg6[%dma_start3A_20] : memref<64xi32, #tpu.memory_space<vmem>> -> memref<24xi32, #tpu.memory_space<vmem>>
    %dma_start3A_22 = arith.constant 0 : i32
    %dma_start3A_23 = arith.constant 0 : i32
    %dma_start3A_24 = tpu.memref_slice %arg3[%dma_start3A_22, %dma_start3A_23] : memref<100000x2048xf32, #tpu.memory_space<hbm>> -> memref<100000x2048xf32, #tpu.memory_space<hbm>>
    tpu.enqueue_indirect_dma source(%dma_start3A_24 : memref<100000x2048xf32, #tpu.memory_space<hbm>>) target(%dma_start3A_19 : memref<24x2048xf32, #tpu.memory_space<vmem>>) offsets(%dma_start3A_21 : memref<24xi32, #tpu.memory_space<vmem>>) semaphore(%arg11 : memref<!tpu.dma_semaphore, #tpu.memory_space<semaphore_mem>>)
    %scan3A = arith.constant 0 : i32
    %scan3A_25 = arith.constant 0 : i32
    %scan3A_26 = arith.constant 128 : i32
    %scan3A_27 = arith.addi %scan3A_25, %scan3A_26 : i32
    %scan3A_28 = arith.constant 1 : i32
    %scan3A_29 = scf.for %scan3A_135 = %scan3A_25 to %scan3A_27 step %scan3A_28 iter_args(%scan3A_136 = %scan3A) -> (i32)  : i32 {
      %mul3A_137 = arith.constant 16 : i32
      %mul3A_138 = arith.muli %scan3A_135, %mul3A_137 : i32
      %get3A = arith.index_cast %mul3A_138 : i32 to index
      %get3A_139 = tpu.vector_load %arg7[%get3A] {strides = array<i32>} : memref<2048xi32, #tpu.memory_space<vmem>>, vector<16xi32>,
      %get3A_140 = vector.shape_cast %get3A_139 : vector<16xi32> to vector<16xi32>
      %convert_element_type3A = arith.sitofp %get3A_140 : vector<16xi32> to vector<16xf32>
      %scan3A_141 = arith.constant 0 : i32
      %scan3A_142 = arith.constant 0 : i32
      %scan3A_143 = arith.constant 32 : i32
      %scan3A_144 = arith.addi %scan3A_142, %scan3A_143 : i32
      %scan3A_145 = arith.constant 4 : i32
      %scan3A_146 = scf.for %scan3A_149 = %scan3A_142 to %scan3A_144 step %scan3A_145 iter_args(%scan3A_150 = %scan3A_141) -> (i32)  : i32 {
        %get3A_151 = arith.index_cast %scan3A_149 : i32 to index
        %get3A_152 = arith.index_cast %mul3A_138 : i32 to index
        %get3A_153 = tpu.vector_load %arg8[%get3A_151, %get3A_152] {strides = array<i32>} : memref<32x2048xf32, #tpu.memory_space<vmem>>, vector<1x16xf32>,
        %get3A_154 = vector.shape_cast %get3A_153 : vector<1x16xf32> to vector<16xf32>
        %add3A_155 = arith.addf %get3A_154, %convert_element_type3A : vector<16xf32>
        %swap3A = arith.index_cast %scan3A_149 : i32 to index
        %swap3A_156 = arith.index_cast %mul3A_138 : i32 to index
        %swap3A_157 = tpu.vector_load %arg8[%swap3A, %swap3A_156] {strides = array<i32>} : memref<32x2048xf32, #tpu.memory_space<vmem>>, vector<1x16xf32>,
        %swap3A_158 = vector.shape_cast %swap3A_157 : vector<1x16xf32> to vector<16xf32>
        %swap3A_159 = vector.shape_cast %add3A_155 : vector<16xf32> to vector<1x16xf32>
        tpu.vector_store %arg8[%swap3A, %swap3A_156], %swap3A_159 {strides = array<i32>} : memref<32x2048xf32, #tpu.memory_space<vmem>>, vector<1x16xf32>,
        %scan3A_160 = arith.constant 0 : i32
        %scan3A_161 = arith.constant 1 : i32
        %scan3A_162 = arith.addi %scan3A_149, %scan3A_161 : i32
        %get3A_163 = arith.index_cast %scan3A_162 : i32 to index
        %get3A_164 = arith.index_cast %mul3A_138 : i32 to index
        %get3A_165 = tpu.vector_load %arg8[%get3A_163, %get3A_164] {strides = array<i32>} : memref<32x2048xf32, #tpu.memory_space<vmem>>, vector<1x16xf32>,
        %get3A_166 = vector.shape_cast %get3A_165 : vector<1x16xf32> to vector<16xf32>
        %add3A_167 = arith.addf %get3A_166, %convert_element_type3A : vector<16xf32>
        %swap3A_168 = arith.index_cast %scan3A_162 : i32 to index
        %swap3A_169 = arith.index_cast %mul3A_138 : i32 to index
        %swap3A_170 = tpu.vector_load %arg8[%swap3A_168, %swap3A_169] {strides = array<i32>} : memref<32x2048xf32, #tpu.memory_space<vmem>>, vector<1x16xf32>,
        %swap3A_171 = vector.shape_cast %swap3A_170 : vector<1x16xf32> to vector<16xf32>
        %swap3A_172 = vector.shape_cast %add3A_167 : vector<16xf32> to vector<1x16xf32>
        tpu.vector_store %arg8[%swap3A_168, %swap3A_169], %swap3A_172 {strides = array<i32>} : memref<32x2048xf32, #tpu.memory_space<vmem>>, vector<1x16xf32>,
        %scan3A_173 = arith.constant 0 : i32
        %scan3A_174 = arith.constant 2 : i32
        %scan3A_175 = arith.addi %scan3A_149, %scan3A_174 : i32
        %get3A_176 = arith.index_cast %scan3A_175 : i32 to index
        %get3A_177 = arith.index_cast %mul3A_138 : i32 to index
        %get3A_178 = tpu.vector_load %arg8[%get3A_176, %get3A_177] {strides = array<i32>} : memref<32x2048xf32, #tpu.memory_space<vmem>>, vector<1x16xf32>,
        %get3A_179 = vector.shape_cast %get3A_178 : vector<1x16xf32> to vector<16xf32>
        %add3A_180 = arith.addf %get3A_179, %convert_element_type3A : vector<16xf32>
        %swap3A_181 = arith.index_cast %scan3A_175 : i32 to index
        %swap3A_182 = arith.index_cast %mul3A_138 : i32 to index
        %swap3A_183 = tpu.vector_load %arg8[%swap3A_181, %swap3A_182] {strides = array<i32>} : memref<32x2048xf32, #tpu.memory_space<vmem>>, vector<1x16xf32>,
        %swap3A_184 = vector.shape_cast %swap3A_183 : vector<1x16xf32> to vector<16xf32>
        %swap3A_185 = vector.shape_cast %add3A_180 : vector<16xf32> to vector<1x16xf32>
        tpu.vector_store %arg8[%swap3A_181, %swap3A_182], %swap3A_185 {strides = array<i32>} : memref<32x2048xf32, #tpu.memory_space<vmem>>, vector<1x16xf32>,
        %scan3A_186 = arith.constant 0 : i32
        %scan3A_187 = arith.constant 3 : i32
        %scan3A_188 = arith.addi %scan3A_149, %scan3A_187 : i32
        %get3A_189 = arith.index_cast %scan3A_188 : i32 to index
        %get3A_190 = arith.index_cast %mul3A_138 : i32 to index
        %get3A_191 = tpu.vector_load %arg8[%get3A_189, %get3A_190] {strides = array<i32>} : memref<32x2048xf32, #tpu.memory_space<vmem>>, vector<1x16xf32>,
        %get3A_192 = vector.shape_cast %get3A_191 : vector<1x16xf32> to vector<16xf32>
        %add3A_193 = arith.addf %get3A_192, %convert_element_type3A : vector<16xf32>
        %swap3A_194 = arith.index_cast %scan3A_188 : i32 to index
        %swap3A_195 = arith.index_cast %mul3A_138 : i32 to index
        %swap3A_196 = tpu.vector_load %arg8[%swap3A_194, %swap3A_195] {strides = array<i32>} : memref<32x2048xf32, #tpu.memory_space<vmem>>, vector<1x16xf32>,
        %swap3A_197 = vector.shape_cast %swap3A_196 : vector<1x16xf32> to vector<16xf32>
        %swap3A_198 = vector.shape_cast %add3A_193 : vector<16xf32> to vector<1x16xf32>
        tpu.vector_store %arg8[%swap3A_194, %swap3A_195], %swap3A_198 {strides = array<i32>} : memref<32x2048xf32, #tpu.memory_space<vmem>>, vector<1x16xf32>,
        %scan3A_199 = arith.constant 0 : i32
        scf.yield %scan3A_199 : i32
      }
      %scan3A_147 = arith.constant 32 : i32
      %scan3A_148 = arith.constant 0 : i32
      scf.yield %scan3A_148 : i32
    }
    %scan3A_30 = arith.constant 128 : i32
    %add3A_31 = arith.constant 0 : i32
    %add3A_32 = arith.addi %mul3A_2, %add3A_31 : i32
    %dma_start3A_33 = arith.constant 0 : i32
    %dma_start3A_34 = arith.constant 0 : i32
    %dma_start3A_35 = tpu.memref_slice %arg8[%dma_start3A_33, %dma_start3A_34] : memref<32x2048xf32, #tpu.memory_space<vmem>> -> memref<32x2048xf32, #tpu.memory_space<vmem>>
    %dma_start3A_36 = arith.constant 0 : i32
    %dma_start3A_37 = tpu.memref_slice %arg5[%add3A_32, %dma_start3A_36] : memref<2048x2048xf32, #tpu.memory_space<hbm>> -> memref<32x2048xf32, #tpu.memory_space<hbm>>
    %dma_start3A_38 = arith.constant 0 : i32
    %dma_start3A_39 = tpu.memref_slice %arg5[%add3A_32, %dma_start3A_38] : memref<2048x2048xf32, #tpu.memory_space<hbm>> -> memref<32x2048xf32, #tpu.memory_space<hbm>>
    %dma_start3A_40 = arith.constant 0 : i32
    %dma_start3A_41 = arith.constant 0 : i32
    %dma_start3A_42 = tpu.memref_slice %arg8[%dma_start3A_40, %dma_start3A_41] : memref<32x2048xf32, #tpu.memory_space<vmem>> -> memref<32x2048xf32, #tpu.memory_space<vmem>>
    tpu.enqueue_dma source(%dma_start3A_42 : memref<32x2048xf32, #tpu.memory_space<vmem>>) target(%dma_start3A_39 : memref<32x2048xf32, #tpu.memory_space<hbm>>) target_semaphore(%arg12 : memref<!tpu.dma_semaphore, #tpu.memory_space<semaphore_mem>>)
    %dma_wait3A_43 = arith.constant 0 : i32
    %dma_wait3A_44 = arith.constant 0 : i32
    %dma_wait3A_45 = tpu.memref_slice %arg9[%dma_wait3A_43, %dma_wait3A_44] : memref<24x2048xf32, #tpu.memory_space<vmem>> -> memref<24x2048xf32, #tpu.memory_space<vmem>>
    %dma_wait3A_46 = arith.constant 32 : i32
    %dma_wait3A_47 = tpu.memref_slice %arg6[%dma_wait3A_46] : memref<64xi32, #tpu.memory_space<vmem>> -> memref<24xi32, #tpu.memory_space<vmem>>
    %dma_wait3A_48 = arith.constant 0 : i32
    %dma_wait3A_49 = arith.constant 0 : i32
    %dma_wait3A_50 = tpu.memref_slice %arg3[%dma_wait3A_48, %dma_wait3A_49] : memref<100000x2048xf32, #tpu.memory_space<hbm>> -> memref<100000x2048xf32, #tpu.memory_space<hbm>>
    tpu.wait_indirect_dma semaphore(%arg11 : memref<!tpu.dma_semaphore, #tpu.memory_space<semaphore_mem>>) src(%dma_wait3A_50 : memref<100000x2048xf32, #tpu.memory_space<hbm>>) dst(%dma_wait3A_45 : memref<24x2048xf32, #tpu.memory_space<vmem>>)
    %dma_wait3A_51 = arith.constant 0 : i32
    %dma_wait3A_52 = arith.constant 0 : i32
    %dma_wait3A_53 = tpu.memref_slice %arg8[%dma_wait3A_51, %dma_wait3A_52] : memref<32x2048xf32, #tpu.memory_space<vmem>> -> memref<32x2048xf32, #tpu.memory_space<vmem>>
    %dma_wait3A_54 = arith.constant 0 : i32
    %dma_wait3A_55 = tpu.memref_slice %arg5[%add3A_32, %dma_wait3A_54] : memref<2048x2048xf32, #tpu.memory_space<hbm>> -> memref<32x2048xf32, #tpu.memory_space<hbm>>
    %dma_wait3A_56 = arith.constant 0 : i32
    %dma_wait3A_57 = tpu.memref_slice %arg5[%add3A_32, %dma_wait3A_56] : memref<2048x2048xf32, #tpu.memory_space<hbm>> -> memref<32x2048xf32, #tpu.memory_space<hbm>>
    %dma_wait3A_58 = arith.constant 0 : i32
    %dma_wait3A_59 = arith.constant 0 : i32
    %dma_wait3A_60 = tpu.memref_slice %arg8[%dma_wait3A_58, %dma_wait3A_59] : memref<32x2048xf32, #tpu.memory_space<vmem>> -> memref<32x2048xf32, #tpu.memory_space<vmem>>
    tpu.wait_dma2 semaphore(%arg12 : memref<!tpu.dma_semaphore, #tpu.memory_space<semaphore_mem>>) src(%dma_wait3A_60 : memref<32x2048xf32, #tpu.memory_space<vmem>>) dst(%dma_wait3A_57 : memref<32x2048xf32, #tpu.memory_space<hbm>>)
    %dma_start3A_61 = arith.constant 0 : i32
    %dma_start3A_62 = arith.constant 0 : i32
    %dma_start3A_63 = tpu.memref_slice %arg8[%dma_start3A_61, %dma_start3A_62] : memref<32x2048xf32, #tpu.memory_space<vmem>> -> memref<8x2048xf32, #tpu.memory_space<vmem>>
    %dma_start3A_64 = arith.constant 56 : i32
    %dma_start3A_65 = tpu.memref_slice %arg6[%dma_start3A_64] : memref<64xi32, #tpu.memory_space<vmem>> -> memref<8xi32, #tpu.memory_space<vmem>>
    %dma_start3A_66 = arith.constant 0 : i32
    %dma_start3A_67 = arith.constant 0 : i32
    %dma_start3A_68 = tpu.memref_slice %arg3[%dma_start3A_66, %dma_start3A_67] : memref<100000x2048xf32, #tpu.memory_space<hbm>> -> memref<100000x2048xf32, #tpu.memory_space<hbm>>
    tpu.enqueue_indirect_dma source(%dma_start3A_68 : memref<100000x2048xf32, #tpu.memory_space<hbm>>) target(%dma_start3A_63 : memref<8x2048xf32, #tpu.memory_space<vmem>>) offsets(%dma_start3A_65 : memref<8xi32, #tpu.memory_space<vmem>>) semaphore(%arg10 : memref<!tpu.dma_semaphore, #tpu.memory_space<semaphore_mem>>)
    %scan3A_69 = arith.constant 0 : i32
    %scan3A_70 = arith.constant 0 : i32
    %scan3A_71 = arith.constant 128 : i32
    %scan3A_72 = arith.addi %scan3A_70, %scan3A_71 : i32
    %scan3A_73 = arith.constant 1 : i32
    %scan3A_74 = scf.for %scan3A_135 = %scan3A_70 to %scan3A_72 step %scan3A_73 iter_args(%scan3A_136 = %scan3A_69) -> (i32)  : i32 {
      %mul3A_137 = arith.constant 16 : i32
      %mul3A_138 = arith.muli %scan3A_135, %mul3A_137 : i32
      %get3A = arith.index_cast %mul3A_138 : i32 to index
      %get3A_139 = tpu.vector_load %arg7[%get3A] {strides = array<i32>} : memref<2048xi32, #tpu.memory_space<vmem>>, vector<16xi32>,
      %get3A_140 = vector.shape_cast %get3A_139 : vector<16xi32> to vector<16xi32>
      %convert_element_type3A = arith.sitofp %get3A_140 : vector<16xi32> to vector<16xf32>
      %scan3A_141 = arith.constant 0 : i32
      %scan3A_142 = arith.constant 0 : i32
      %scan3A_143 = arith.constant 24 : i32
      %scan3A_144 = arith.addi %scan3A_142, %scan3A_143 : i32
      %scan3A_145 = arith.constant 4 : i32
      %scan3A_146 = scf.for %scan3A_149 = %scan3A_142 to %scan3A_144 step %scan3A_145 iter_args(%scan3A_150 = %scan3A_141) -> (i32)  : i32 {
        %get3A_151 = arith.index_cast %scan3A_149 : i32 to index
        %get3A_152 = arith.index_cast %mul3A_138 : i32 to index
        %get3A_153 = tpu.vector_load %arg9[%get3A_151, %get3A_152] {strides = array<i32>} : memref<24x2048xf32, #tpu.memory_space<vmem>>, vector<1x16xf32>,
        %get3A_154 = vector.shape_cast %get3A_153 : vector<1x16xf32> to vector<16xf32>
        %add3A_155 = arith.addf %get3A_154, %convert_element_type3A : vector<16xf32>
        %swap3A = arith.index_cast %scan3A_149 : i32 to index
        %swap3A_156 = arith.index_cast %mul3A_138 : i32 to index
        %swap3A_157 = tpu.vector_load %arg9[%swap3A, %swap3A_156] {strides = array<i32>} : memref<24x2048xf32, #tpu.memory_space<vmem>>, vector<1x16xf32>,
        %swap3A_158 = vector.shape_cast %swap3A_157 : vector<1x16xf32> to vector<16xf32>
        %swap3A_159 = vector.shape_cast %add3A_155 : vector<16xf32> to vector<1x16xf32>
        tpu.vector_store %arg9[%swap3A, %swap3A_156], %swap3A_159 {strides = array<i32>} : memref<24x2048xf32, #tpu.memory_space<vmem>>, vector<1x16xf32>,
        %scan3A_160 = arith.constant 0 : i32
        %scan3A_161 = arith.constant 1 : i32
        %scan3A_162 = arith.addi %scan3A_149, %scan3A_161 : i32
        %get3A_163 = arith.index_cast %scan3A_162 : i32 to index
        %get3A_164 = arith.index_cast %mul3A_138 : i32 to index
        %get3A_165 = tpu.vector_load %arg9[%get3A_163, %get3A_164] {strides = array<i32>} : memref<24x2048xf32, #tpu.memory_space<vmem>>, vector<1x16xf32>,
        %get3A_166 = vector.shape_cast %get3A_165 : vector<1x16xf32> to vector<16xf32>
        %add3A_167 = arith.addf %get3A_166, %convert_element_type3A : vector<16xf32>
        %swap3A_168 = arith.index_cast %scan3A_162 : i32 to index
        %swap3A_169 = arith.index_cast %mul3A_138 : i32 to index
        %swap3A_170 = tpu.vector_load %arg9[%swap3A_168, %swap3A_169] {strides = array<i32>} : memref<24x2048xf32, #tpu.memory_space<vmem>>, vector<1x16xf32>,
        %swap3A_171 = vector.shape_cast %swap3A_170 : vector<1x16xf32> to vector<16xf32>
        %swap3A_172 = vector.shape_cast %add3A_167 : vector<16xf32> to vector<1x16xf32>
        tpu.vector_store %arg9[%swap3A_168, %swap3A_169], %swap3A_172 {strides = array<i32>} : memref<24x2048xf32, #tpu.memory_space<vmem>>, vector<1x16xf32>,
        %scan3A_173 = arith.constant 0 : i32
        %scan3A_174 = arith.constant 2 : i32
        %scan3A_175 = arith.addi %scan3A_149, %scan3A_174 : i32
        %get3A_176 = arith.index_cast %scan3A_175 : i32 to index
        %get3A_177 = arith.index_cast %mul3A_138 : i32 to index
        %get3A_178 = tpu.vector_load %arg9[%get3A_176, %get3A_177] {strides = array<i32>} : memref<24x2048xf32, #tpu.memory_space<vmem>>, vector<1x16xf32>,
        %get3A_179 = vector.shape_cast %get3A_178 : vector<1x16xf32> to vector<16xf32>
        %add3A_180 = arith.addf %get3A_179, %convert_element_type3A : vector<16xf32>
        %swap3A_181 = arith.index_cast %scan3A_175 : i32 to index
        %swap3A_182 = arith.index_cast %mul3A_138 : i32 to index
        %swap3A_183 = tpu.vector_load %arg9[%swap3A_181, %swap3A_182] {strides = array<i32>} : memref<24x2048xf32, #tpu.memory_space<vmem>>, vector<1x16xf32>,
        %swap3A_184 = vector.shape_cast %swap3A_183 : vector<1x16xf32> to vector<16xf32>
        %swap3A_185 = vector.shape_cast %add3A_180 : vector<16xf32> to vector<1x16xf32>
        tpu.vector_store %arg9[%swap3A_181, %swap3A_182], %swap3A_185 {strides = array<i32>} : memref<24x2048xf32, #tpu.memory_space<vmem>>, vector<1x16xf32>,
        %scan3A_186 = arith.constant 0 : i32
        %scan3A_187 = arith.constant 3 : i32
        %scan3A_188 = arith.addi %scan3A_149, %scan3A_187 : i32
        %get3A_189 = arith.index_cast %scan3A_188 : i32 to index
        %get3A_190 = arith.index_cast %mul3A_138 : i32 to index
        %get3A_191 = tpu.vector_load %arg9[%get3A_189, %get3A_190] {strides = array<i32>} : memref<24x2048xf32, #tpu.memory_space<vmem>>, vector<1x16xf32>,
        %get3A_192 = vector.shape_cast %get3A_191 : vector<1x16xf32> to vector<16xf32>
        %add3A_193 = arith.addf %get3A_192, %convert_element_type3A : vector<16xf32>
        %swap3A_194 = arith.index_cast %scan3A_188 : i32 to index
        %swap3A_195 = arith.index_cast %mul3A_138 : i32 to index
        %swap3A_196 = tpu.vector_load %arg9[%swap3A_194, %swap3A_195] {strides = array<i32>} : memref<24x2048xf32, #tpu.memory_space<vmem>>, vector<1x16xf32>,
        %swap3A_197 = vector.shape_cast %swap3A_196 : vector<1x16xf32> to vector<16xf32>
        %swap3A_198 = vector.shape_cast %add3A_193 : vector<16xf32> to vector<1x16xf32>
        tpu.vector_store %arg9[%swap3A_194, %swap3A_195], %swap3A_198 {strides = array<i32>} : memref<24x2048xf32, #tpu.memory_space<vmem>>, vector<1x16xf32>,
        %scan3A_199 = arith.constant 0 : i32
        scf.yield %scan3A_199 : i32
      }
      %scan3A_147 = arith.constant 24 : i32
      %scan3A_148 = arith.constant 0 : i32
      scf.yield %scan3A_148 : i32
    }
    %scan3A_75 = arith.constant 128 : i32
    %add3A_76 = arith.constant 32 : i32
    %add3A_77 = arith.addi %mul3A_2, %add3A_76 : i32
    %dma_start3A_78 = arith.constant 0 : i32
    %dma_start3A_79 = arith.constant 0 : i32
    %dma_start3A_80 = tpu.memref_slice %arg9[%dma_start3A_78, %dma_start3A_79] : memref<24x2048xf32, #tpu.memory_space<vmem>> -> memref<24x2048xf32, #tpu.memory_space<vmem>>
    %dma_start3A_81 = arith.constant 0 : i32
    %dma_start3A_82 = tpu.memref_slice %arg5[%add3A_77, %dma_start3A_81] : memref<2048x2048xf32, #tpu.memory_space<hbm>> -> memref<24x2048xf32, #tpu.memory_space<hbm>>
    %dma_start3A_83 = arith.constant 0 : i32
    %dma_start3A_84 = tpu.memref_slice %arg5[%add3A_77, %dma_start3A_83] : memref<2048x2048xf32, #tpu.memory_space<hbm>> -> memref<24x2048xf32, #tpu.memory_space<hbm>>
    %dma_start3A_85 = arith.constant 0 : i32
    %dma_start3A_86 = arith.constant 0 : i32
    %dma_start3A_87 = tpu.memref_slice %arg9[%dma_start3A_85, %dma_start3A_86] : memref<24x2048xf32, #tpu.memory_space<vmem>> -> memref<24x2048xf32, #tpu.memory_space<vmem>>
    tpu.enqueue_dma source(%dma_start3A_87 : memref<24x2048xf32, #tpu.memory_space<vmem>>) target(%dma_start3A_84 : memref<24x2048xf32, #tpu.memory_space<hbm>>) target_semaphore(%arg13 : memref<!tpu.dma_semaphore, #tpu.memory_space<semaphore_mem>>)
    %dma_wait3A_88 = arith.constant 0 : i32
    %dma_wait3A_89 = arith.constant 0 : i32
    %dma_wait3A_90 = tpu.memref_slice %arg8[%dma_wait3A_88, %dma_wait3A_89] : memref<32x2048xf32, #tpu.memory_space<vmem>> -> memref<8x2048xf32, #tpu.memory_space<vmem>>
    %dma_wait3A_91 = arith.constant 56 : i32
    %dma_wait3A_92 = tpu.memref_slice %arg6[%dma_wait3A_91] : memref<64xi32, #tpu.memory_space<vmem>> -> memref<8xi32, #tpu.memory_space<vmem>>
    %dma_wait3A_93 = arith.constant 0 : i32
    %dma_wait3A_94 = arith.constant 0 : i32
    %dma_wait3A_95 = tpu.memref_slice %arg3[%dma_wait3A_93, %dma_wait3A_94] : memref<100000x2048xf32, #tpu.memory_space<hbm>> -> memref<100000x2048xf32, #tpu.memory_space<hbm>>
    tpu.wait_indirect_dma semaphore(%arg10 : memref<!tpu.dma_semaphore, #tpu.memory_space<semaphore_mem>>) src(%dma_wait3A_95 : memref<100000x2048xf32, #tpu.memory_space<hbm>>) dst(%dma_wait3A_90 : memref<8x2048xf32, #tpu.memory_space<vmem>>)
    %scan3A_96 = arith.constant 0 : i32
    %scan3A_97 = arith.constant 0 : i32
    %scan3A_98 = arith.constant 128 : i32
    %scan3A_99 = arith.addi %scan3A_97, %scan3A_98 : i32
    %scan3A_100 = arith.constant 1 : i32
    %scan3A_101 = scf.for %scan3A_135 = %scan3A_97 to %scan3A_99 step %scan3A_100 iter_args(%scan3A_136 = %scan3A_96) -> (i32)  : i32 {
      %mul3A_137 = arith.constant 16 : i32
      %mul3A_138 = arith.muli %scan3A_135, %mul3A_137 : i32
      %get3A = arith.index_cast %mul3A_138 : i32 to index
      %get3A_139 = tpu.vector_load %arg7[%get3A] {strides = array<i32>} : memref<2048xi32, #tpu.memory_space<vmem>>, vector<16xi32>,
      %get3A_140 = vector.shape_cast %get3A_139 : vector<16xi32> to vector<16xi32>
      %convert_element_type3A = arith.sitofp %get3A_140 : vector<16xi32> to vector<16xf32>
      %scan3A_141 = arith.constant 0 : i32
      %scan3A_142 = arith.constant 0 : i32
      %scan3A_143 = arith.constant 8 : i32
      %scan3A_144 = arith.addi %scan3A_142, %scan3A_143 : i32
      %scan3A_145 = arith.constant 4 : i32
      %scan3A_146 = scf.for %scan3A_149 = %scan3A_142 to %scan3A_144 step %scan3A_145 iter_args(%scan3A_150 = %scan3A_141) -> (i32)  : i32 {
        %get3A_151 = arith.index_cast %scan3A_149 : i32 to index
        %get3A_152 = arith.index_cast %mul3A_138 : i32 to index
        %get3A_153 = tpu.vector_load %arg8[%get3A_151, %get3A_152] {strides = array<i32>} : memref<32x2048xf32, #tpu.memory_space<vmem>>, vector<1x16xf32>,
        %get3A_154 = vector.shape_cast %get3A_153 : vector<1x16xf32> to vector<16xf32>
        %add3A_155 = arith.addf %get3A_154, %convert_element_type3A : vector<16xf32>
        %swap3A = arith.index_cast %scan3A_149 : i32 to index
        %swap3A_156 = arith.index_cast %mul3A_138 : i32 to index
        %swap3A_157 = tpu.vector_load %arg8[%swap3A, %swap3A_156] {strides = array<i32>} : memref<32x2048xf32, #tpu.memory_space<vmem>>, vector<1x16xf32>,
        %swap3A_158 = vector.shape_cast %swap3A_157 : vector<1x16xf32> to vector<16xf32>
        %swap3A_159 = vector.shape_cast %add3A_155 : vector<16xf32> to vector<1x16xf32>
        tpu.vector_store %arg8[%swap3A, %swap3A_156], %swap3A_159 {strides = array<i32>} : memref<32x2048xf32, #tpu.memory_space<vmem>>, vector<1x16xf32>,
        %scan3A_160 = arith.constant 0 : i32
        %scan3A_161 = arith.constant 1 : i32
        %scan3A_162 = arith.addi %scan3A_149, %scan3A_161 : i32
        %get3A_163 = arith.index_cast %scan3A_162 : i32 to index
        %get3A_164 = arith.index_cast %mul3A_138 : i32 to index
        %get3A_165 = tpu.vector_load %arg8[%get3A_163, %get3A_164] {strides = array<i32>} : memref<32x2048xf32, #tpu.memory_space<vmem>>, vector<1x16xf32>,
        %get3A_166 = vector.shape_cast %get3A_165 : vector<1x16xf32> to vector<16xf32>
        %add3A_167 = arith.addf %get3A_166, %convert_element_type3A : vector<16xf32>
        %swap3A_168 = arith.index_cast %scan3A_162 : i32 to index
        %swap3A_169 = arith.index_cast %mul3A_138 : i32 to index
        %swap3A_170 = tpu.vector_load %arg8[%swap3A_168, %swap3A_169] {strides = array<i32>} : memref<32x2048xf32, #tpu.memory_space<vmem>>, vector<1x16xf32>,
        %swap3A_171 = vector.shape_cast %swap3A_170 : vector<1x16xf32> to vector<16xf32>
        %swap3A_172 = vector.shape_cast %add3A_167 : vector<16xf32> to vector<1x16xf32>
        tpu.vector_store %arg8[%swap3A_168, %swap3A_169], %swap3A_172 {strides = array<i32>} : memref<32x2048xf32, #tpu.memory_space<vmem>>, vector<1x16xf32>,
        %scan3A_173 = arith.constant 0 : i32
        %scan3A_174 = arith.constant 2 : i32
        %scan3A_175 = arith.addi %scan3A_149, %scan3A_174 : i32
        %get3A_176 = arith.index_cast %scan3A_175 : i32 to index
        %get3A_177 = arith.index_cast %mul3A_138 : i32 to index
        %get3A_178 = tpu.vector_load %arg8[%get3A_176, %get3A_177] {strides = array<i32>} : memref<32x2048xf32, #tpu.memory_space<vmem>>, vector<1x16xf32>,
        %get3A_179 = vector.shape_cast %get3A_178 : vector<1x16xf32> to vector<16xf32>
        %add3A_180 = arith.addf %get3A_179, %convert_element_type3A : vector<16xf32>
        %swap3A_181 = arith.index_cast %scan3A_175 : i32 to index
        %swap3A_182 = arith.index_cast %mul3A_138 : i32 to index
        %swap3A_183 = tpu.vector_load %arg8[%swap3A_181, %swap3A_182] {strides = array<i32>} : memref<32x2048xf32, #tpu.memory_space<vmem>>, vector<1x16xf32>,
        %swap3A_184 = vector.shape_cast %swap3A_183 : vector<1x16xf32> to vector<16xf32>
        %swap3A_185 = vector.shape_cast %add3A_180 : vector<16xf32> to vector<1x16xf32>
        tpu.vector_store %arg8[%swap3A_181, %swap3A_182], %swap3A_185 {strides = array<i32>} : memref<32x2048xf32, #tpu.memory_space<vmem>>, vector<1x16xf32>,
        %scan3A_186 = arith.constant 0 : i32
        %scan3A_187 = arith.constant 3 : i32
        %scan3A_188 = arith.addi %scan3A_149, %scan3A_187 : i32
        %get3A_189 = arith.index_cast %scan3A_188 : i32 to index
        %get3A_190 = arith.index_cast %mul3A_138 : i32 to index
        %get3A_191 = tpu.vector_load %arg8[%get3A_189, %get3A_190] {strides = array<i32>} : memref<32x2048xf32, #tpu.memory_space<vmem>>, vector<1x16xf32>,
        %get3A_192 = vector.shape_cast %get3A_191 : vector<1x16xf32> to vector<16xf32>
        %add3A_193 = arith.addf %get3A_192, %convert_element_type3A : vector<16xf32>
        %swap3A_194 = arith.index_cast %scan3A_188 : i32 to index
        %swap3A_195 = arith.index_cast %mul3A_138 : i32 to index
        %swap3A_196 = tpu.vector_load %arg8[%swap3A_194, %swap3A_195] {strides = array<i32>} : memref<32x2048xf32, #tpu.memory_space<vmem>>, vector<1x16xf32>,
        %swap3A_197 = vector.shape_cast %swap3A_196 : vector<1x16xf32> to vector<16xf32>
        %swap3A_198 = vector.shape_cast %add3A_193 : vector<16xf32> to vector<1x16xf32>
        tpu.vector_store %arg8[%swap3A_194, %swap3A_195], %swap3A_198 {strides = array<i32>} : memref<32x2048xf32, #tpu.memory_space<vmem>>, vector<1x16xf32>,
        %scan3A_199 = arith.constant 0 : i32
        scf.yield %scan3A_199 : i32
      }
      %scan3A_147 = arith.constant 8 : i32
      %scan3A_148 = arith.constant 0 : i32
      scf.yield %scan3A_148 : i32
    }
    %scan3A_102 = arith.constant 128 : i32
    %add3A_103 = arith.constant 56 : i32
    %add3A_104 = arith.addi %mul3A_2, %add3A_103 : i32
    %dma_start3A_105 = arith.constant 0 : i32
    %dma_start3A_106 = arith.constant 0 : i32
    %dma_start3A_107 = tpu.memref_slice %arg8[%dma_start3A_105, %dma_start3A_106] : memref<32x2048xf32, #tpu.memory_space<vmem>> -> memref<8x2048xf32, #tpu.memory_space<vmem>>
    %dma_start3A_108 = arith.constant 0 : i32
    %dma_start3A_109 = tpu.memref_slice %arg5[%add3A_104, %dma_start3A_108] : memref<2048x2048xf32, #tpu.memory_space<hbm>> -> memref<8x2048xf32, #tpu.memory_space<hbm>>
    %dma_start3A_110 = arith.constant 0 : i32
    %dma_start3A_111 = tpu.memref_slice %arg5[%add3A_104, %dma_start3A_110] : memref<2048x2048xf32, #tpu.memory_space<hbm>> -> memref<8x2048xf32, #tpu.memory_space<hbm>>
    %dma_start3A_112 = arith.constant 0 : i32
    %dma_start3A_113 = arith.constant 0 : i32
    %dma_start3A_114 = tpu.memref_slice %arg8[%dma_start3A_112, %dma_start3A_113] : memref<32x2048xf32, #tpu.memory_space<vmem>> -> memref<8x2048xf32, #tpu.memory_space<vmem>>
    tpu.enqueue_dma source(%dma_start3A_114 : memref<8x2048xf32, #tpu.memory_space<vmem>>) target(%dma_start3A_111 : memref<8x2048xf32, #tpu.memory_space<hbm>>) target_semaphore(%arg12 : memref<!tpu.dma_semaphore, #tpu.memory_space<semaphore_mem>>)
    %dma_wait3A_115 = arith.constant 0 : i32
    %dma_wait3A_116 = arith.constant 0 : i32
    %dma_wait3A_117 = tpu.memref_slice %arg8[%dma_wait3A_115, %dma_wait3A_116] : memref<32x2048xf32, #tpu.memory_space<vmem>> -> memref<8x2048xf32, #tpu.memory_space<vmem>>
    %dma_wait3A_118 = arith.constant 0 : i32
    %dma_wait3A_119 = tpu.memref_slice %arg5[%add3A_104, %dma_wait3A_118] : memref<2048x2048xf32, #tpu.memory_space<hbm>> -> memref<8x2048xf32, #tpu.memory_space<hbm>>
    %dma_wait3A_120 = arith.constant 0 : i32
    %dma_wait3A_121 = tpu.memref_slice %arg5[%add3A_104, %dma_wait3A_120] : memref<2048x2048xf32, #tpu.memory_space<hbm>> -> memref<8x2048xf32, #tpu.memory_space<hbm>>
    %dma_wait3A_122 = arith.constant 0 : i32
    %dma_wait3A_123 = arith.constant 0 : i32
    %dma_wait3A_124 = tpu.memref_slice %arg8[%dma_wait3A_122, %dma_wait3A_123] : memref<32x2048xf32, #tpu.memory_space<vmem>> -> memref<8x2048xf32, #tpu.memory_space<vmem>>
    tpu.wait_dma2 semaphore(%arg12 : memref<!tpu.dma_semaphore, #tpu.memory_space<semaphore_mem>>) src(%dma_wait3A_124 : memref<8x2048xf32, #tpu.memory_space<vmem>>) dst(%dma_wait3A_121 : memref<8x2048xf32, #tpu.memory_space<hbm>>)
    %dma_wait3A_125 = arith.constant 0 : i32
    %dma_wait3A_126 = arith.constant 0 : i32
    %dma_wait3A_127 = tpu.memref_slice %arg9[%dma_wait3A_125, %dma_wait3A_126] : memref<24x2048xf32, #tpu.memory_space<vmem>> -> memref<24x2048xf32, #tpu.memory_space<vmem>>
    %dma_wait3A_128 = arith.constant 0 : i32
    %dma_wait3A_129 = tpu.memref_slice %arg5[%add3A_77, %dma_wait3A_128] : memref<2048x2048xf32, #tpu.memory_space<hbm>> -> memref<24x2048xf32, #tpu.memory_space<hbm>>
    %dma_wait3A_130 = arith.constant 0 : i32
    %dma_wait3A_131 = tpu.memref_slice %arg5[%add3A_77, %dma_wait3A_130] : memref<2048x2048xf32, #tpu.memory_space<hbm>> -> memref<24x2048xf32, #tpu.memory_space<hbm>>
    %dma_wait3A_132 = arith.constant 0 : i32
    %dma_wait3A_133 = arith.constant 0 : i32
    %dma_wait3A_134 = tpu.memref_slice %arg9[%dma_wait3A_132, %dma_wait3A_133] : memref<24x2048xf32, #tpu.memory_space<vmem>> -> memref<24x2048xf32, #tpu.memory_space<vmem>>
    tpu.wait_dma2 semaphore(%arg13 : memref<!tpu.dma_semaphore, #tpu.memory_space<semaphore_mem>>) src(%dma_wait3A_134 : memref<24x2048xf32, #tpu.memory_space<vmem>>) dst(%dma_wait3A_131 : memref<24x2048xf32, #tpu.memory_space<hbm>>)
    return
  }
}

</mosaic_0001>

<sc_bundles>
// kernel: kernel.3.cloned.1.call-start
scs
__scs_entry_jumppad:
0x0: {  	(pc) =	sbr.rel $0x88, $3  }
0x1: {  	(tag) =	ssettag $0x0;
	lr =	simm.s32 $0x1  }
0x2: {  	[smem:$0x3F9E] =	sst lr;
	_ =	strace $0xD0000000  }
0x3: {  	_ = 	snop  }
0x4: {  	_ = 	snop  }
0x5: {  	_ = 	snop  }
0x6: {  	_ = 	snop  }
0x7: {  	_ = 	snop  }
__scs_overlays_trampoline_lowered:
0x8: {  	[smem:$0x3FAD] =	sst s0  }
0x9: {  	[smem:$0x3FAE] =	sst s1  }
0xa: {  	[smem:$0x3FAF] =	sst s2  }
0xb: {  	[smem:$0x3FB0] =	sst s3  }
0xc: {  	[smem:$0x3FB1] =	sst s4  }
0xd: {  	[smem:$0x3FB2] =	sst s5  }
0xe: {  	[smem:$0x3FB3] =	sst s6  }
0xf: {  	[smem:$0x3FB4] =	sst s7  }
0x10: {  	[smem:$0x3FB5] =	sst s8  }
0x11: {  	[smem:$0x3FB6] =	sst s9;
	s0 =	simm.s32 @!p0 $0x0  }
0x12: {  	s1 =	sld [smem:$0x3F9C];
	s0 =	simm.s32 @p0 $0x1  }
0x13: {  	[smem:$0x3FB7] =	sst s0;
	s0 =	simm.s32 @!p1 $0x0  }
0x14: {  	s2 =	sld [smem:$0x3F9B];
	s0 =	simm.s32 @p1 $0x1  }
0x15: {  	[smem:$0x3FB8] =	sst s0;
	s0 =	simm.s32 @!p2 $0x0  }
0x16: {  	s3 =	sld [smem:$0x3FDB];
	s0 =	simm.s32 @p2 $0x1  }
0x17: {  	s4 =	simm.s32 $0x1BF5;
	[smem:$0x3FBA] =	sst s0  }
0x18: {  	s0 =	sld [smem:$0x3F9D];
	_ =	swait.ge [sflag:s4], $0x0  }
0x19: {  	s7 =	sld [smem:$0x3F9E]  }
0x1a: {  	s8 =	sadd.s32 $0xFFFFE003, lr  }
0x1b: {  	s9 =	sadd.s32 $0xFFFFFEF7, lr;
	s5 =	simm.s32 $0xFFFFFFFF;
	p2 =	slt.u32 s8, $0xFFFFF086  }
0x1c: {  	p1 =	slt.u32 s9, $0xF7A;
	s5 =	simm.s32 @!p2 $0x0  }
0x1d: {  	s5 =	simm.s32 @p1 $0x1;
	p0 =	seq.s32 s7, s2  }
0x1e: {  	s7 =	smul.u32 @!p0 $0xF7A, s2;
	p2 =	seq.s32 @!p0 s5, $0x0  }
0x1f: {  	s9 =	smul.u32 $0xF7A, s1;
	s8 =	simm.s32 @!p0 $0x1BF5;
	p2 =	por !p2, p0  }
0x20: {  	[sflag:s8] =	ssyncset.s32 @!p0 $0xFFFFF086;
	s6 =	sadd.s32 @!p0 s3, s7;
	s7 =	simm.s32 @!p0 $0x108  }
0x21: {  	s3 =	sadd.s32 s3, s9;
	s6 =	sadd.s32 @!p0 $0x88, s6;
	s7 =	simm.s32 @p2 $0x1082  }
0x22: {  	[simem:s7], [sflag:s8] =	dma.local @!p0 [hbm:s6], $0xF7A  }
0x23: {  	s9 =	sor.u32 $0xD0000000, s2;
	s6 =	simm.s32 $0x108;
	_ =	swait.ge @!p0 [sflag:s8], $0x0  }
0x24: {  	s3 =	sadd.s32 $0x88, s3;
	s6 =	simm.s32 @!p1 $0x1082;
	[sflag:s4] =	ssyncset.s32 $0xFFFFF086  }
0x25: {  	[simem:s6], [sflag:s4] =	dma.local [hbm:s3], $0xF7A  }
0x26: {  	[smem:$0x3F9E] =	sst s1;
	(tag) =	ssettag s2;
	_ =	strace s9  }
0x27: {  	s1 =	sld [smem:$0x3FAE]  }
0x28: {  	s2 =	sld [smem:$0x3FAF]  }
0x29: {  	s4 =	sld [smem:$0x3FB1]  }
0x2a: {  	p0 =	seq.s32 s5, $0x0;
	s5 =	sld [smem:$0x3FB2]  }
0x2b: {  	s6 =	sld [smem:$0x3FB3]  }
0x2c: {  	s7 =	sld [smem:$0x3FB4]  }
0x2d: {  	s3 =	simm.s32 $0x108;
	s8 =	sld [smem:$0x3FB5]  }
0x2e: {  	s3 =	simm.s32 @!p0 $0x1082;
	s9 =	sld [smem:$0x3FB6]  }
0x2f: {  	lr =	sadd.s32 s0, s3;
	s0 =	sld [smem:$0x3FAD]  }
0x30: {  	s3 =	sld [smem:$0x3FB0]  }
0x31: {  	[smem:$0x3FB9] =	sst s10  }
0x32: {  	s10 =	sld [smem:$0x3FB7];
	_ =	sdelay $0x3  }
0x33: {  	p0 =	seq.s32 s10, $0x1;
	s10 =	sld [smem:$0x3FB9];
	_ =	sdelay $0x3  }
0x34: {  	[smem:$0x3FB9] =	sst s10  }
0x35: {  	s10 =	sld [smem:$0x3FB8];
	_ =	sdelay $0x3  }
0x36: {  	p1 =	seq.s32 s10, $0x1;
	s10 =	sld [smem:$0x3FB9];
	_ =	sdelay $0x3  }
0x37: {  	[smem:$0x3FB9] =	sst s10  }
0x38: {  	s10 =	sld [smem:$0x3FBA]  }
0x39: {  	_ = 	snop;
	(pc) =	sbr.ind lr, $3  }
0x3a: {  	_ = 	snop  }
0x3b: {  	_ = 	snop  }
0x3c: {  	p2 =	seq.s32 s10, $0x1;
	s10 =	sld [smem:$0x3FB9]  }
0x3d: {  	_ =	shalt  }
0x3e: {  	_ =	shalt  }
0x3f: {  	_ =	shalt  }
0x40: {  	_ =	shalt  }
0x41: {  	_ =	shalt  }
0x42: {  	_ =	shalt  }
0x43: {  	_ =	shalt  }
0x44: {  	_ =	shalt  }
0x45: {  	_ =	shalt  }
0x46: {  	_ =	shalt  }
0x47: {  	_ =	shalt  }
0x48: {  	_ =	shalt  }
0x49: {  	_ =	shalt  }
0x4a: {  	_ =	shalt  }
0x4b: {  	_ =	shalt  }
0x4c: {  	_ =	shalt  }
0x4d: {  	_ =	shalt  }
0x4e: {  	_ =	shalt  }
0x4f: {  	_ =	shalt  }
0x50: {  	_ =	shalt  }
0x51: {  	_ =	shalt  }
0x52: {  	_ =	shalt  }
0x53: {  	_ =	shalt  }
0x54: {  	_ =	shalt  }
0x55: {  	_ =	shalt  }
0x56: {  	_ =	shalt  }
0x57: {  	_ =	shalt  }
0x58: {  	_ =	shalt  }
0x59: {  	_ =	shalt  }
0x5a: {  	_ =	shalt  }
0x5b: {  	_ =	shalt  }
0x5c: {  	_ =	shalt  }
0x5d: {  	_ =	shalt  }
0x5e: {  	_ =	shalt  }
0x5f: {  	_ =	shalt  }
0x60: {  	_ =	shalt  }
0x61: {  	_ =	shalt  }
0x62: {  	_ =	shalt  }
0x63: {  	_ =	shalt  }
0x64: {  	_ =	shalt  }
0x65: {  	_ =	shalt  }
0x66: {  	_ =	shalt  }
0x67: {  	_ =	shalt  }
0x68: {  	_ =	shalt  }
0x69: {  	_ =	shalt  }
0x6a: {  	_ =	shalt  }
0x6b: {  	_ =	shalt  }
0x6c: {  	_ =	shalt  }
0x6d: {  	_ =	shalt  }
0x6e: {  	_ =	shalt  }
0x6f: {  	_ =	shalt  }
0x70: {  	_ =	shalt  }
0x71: {  	_ =	shalt  }
0x72: {  	_ =	shalt  }
0x73: {  	_ =	shalt  }
0x74: {  	_ =	shalt  }
0x75: {  	_ =	shalt  }
0x76: {  	_ =	shalt  }
0x77: {  	_ =	shalt  }
0x78: {  	_ =	shalt  }
0x79: {  	_ =	shalt  }
0x7a: {  	_ =	shalt  }
0x7b: {  	_ =	shalt  }
0x7c: {  	_ =	shalt  }
0x7d: {  	_ =	shalt  }
0x7e: {  	_ =	shalt  }
0x7f: {  	_ =	shalt  }
0x80: {  	_ =	shalt  }
0x81: {  	_ =	shalt  }
0x82: {  	_ =	shalt  }
0x83: {  	_ =	shalt  }
0x84: {  	_ =	shalt  }
0x85: {  	_ =	shalt  }
0x86: {  	_ =	shalt  }
0x87: {  	_ =	shalt  }
.Lfunc_end0:
.L_simem_size_0:
called_computation_lowered:
.L_overlay_start_0:
0x88: {  	s2 =	sld [smem:$0x3FD9]  }
0x89: {  	s3 =	sld [smem:$0x3FFE];
	_ =	sdelay $0x1  }
0x8a: {  	s1 =	srdreg.scid  }
0x8b: {  	s0 =	sand.u32 $0x1, s1  }
0x8c: {  	s18 =	sshll.u32 s0, $0xA;
	s2 =	sadd.s32 s3, s2  }
0x8d: {  	s2 =	sadd.s32 s2, s18  }
0x8e: {  	[smem:$0x3FC5] =	sst s2  }
0x8f: {  	_ = 	snop  }
0x90: {  	s2 =	sld [smem:$0x3FC9]  }
0x91: {  	s19 =	sld [smem:$0x3FC8]  }
0x92: {  	s4 =	sld [smem:$0x3FC7]  }
0x93: {  	s5 =	sld [smem:$0x3FD0];
	(tm) =	ssettm $0x1  }
0x94: {  	s6 =	sld [smem:$0x3FFB];
	_ =	sdelay $0x3  }
0x95: {  	_ =	strace s6  }
0x96: {  	s6 =	sld [smem:$0x3FFC];
	_ =	sdelay $0x3  }
0x97: {  	_ =	strace s6  }
0x98: {  	s6 =	sld [smem:$0x3FFD];
	_ =	sdelay $0x3  }
0x99: {  	_ =	strace s6  }
0x9a: {  	_ =	strace $0x8FFFFFFF  }
0x9b: {  	s20 =	sld [smem:$0x3FDB];
	_ =	sdelay $0x1  }
0x9c: {  	s7 =	simm.s32 $_scs_section_size  }
0x9d: {  	s8 =	simm.s32 $_size__tile_overlayer_lowered;
	s9 =	simm.s32 $_tile_overlayer_lowered  }
0x9e: {  	s23 =	simm.s32 $0x1BFF;
	s22 =	sshll.u32 s9, $0x1;
	s6 =	sadd.s32 s7, s20  }
0x9f: {  	s10 =	simm.s32 $0x0;
	s21 =	sshll.u32 s8, $0x1;
	s8 =	sadd.s32 s22, s6  }
0xa0: {  	[timem:s10], [sflag:s23] =	dma.local [hbm:s8], s21  }
0xa1: {  	_ =	swait.ge [sflag:s23], s21  }
0xa2: {  	s7 =	ssub.s32 $0x0, s21;
	[sflag:s23] =	ssyncset.done $0x0  }
0xa3: {  	[sflag:s23] =	ssyncadd.s32 s7;
	_ =	sdelay $0x1  }
0xa4: {  	s24 =	simm.s32 $0x1B8B  }
0xa5: {  	_ =	swait.ge [sflag:s24], $0x1  }
0xa6: {  	[sflag:s24] =	ssyncset.done $0x0  }
0xa7: {  	s25 =	simm.s32 $0x1B8E;
	[sflag:s24] =	ssyncadd.s32 $0xFFFFFFFF  }
0xa8: {  	s26 =	simm.s32 $execute0_lowered;
	[smem:$0x3FD2] =	sst s25  }
0xa9: {  	s7 =	sshll.u32 s26, $0x1;
	_ =	strace $0x80000046;
	[dreg:$0x1] =	wrdreg $0xFFFFFFFF  }
0xaa: {  	s28 =	simm.s32 $_size_execute0_lowered;
	s6 =	sadd.s32 s6, s7;
	[dreg:$0x0] =	wrdreg $0x0  }
0xab: {  	s7 =	sshll.u32 s28, $0x1;
	[dreg:$0x2] =	wrdreg s6  }
0xac: {  	[dreg:$0x3] =	wrdreg s7  }
0xad: {  	[dreg:$0x4] =	wrdreg $0xC0  }
0xae: {  	_ =	task [dreg:s10], $0x5FFFF  }
0xaf: {  	[dreg:$0x1] =	wrdreg $0xFFFFFFFF  }
0xb0: {  	[dreg:$0x0] =	wrdreg $0x60  }
0xb1: {  	[dreg:$0x2] =	wrdreg s2  }
0xb2: {  	[dreg:$0x3] =	wrdreg s19  }
0xb3: {  	[dreg:$0x4] =	wrdreg s4  }
0xb4: {  	[dreg:$0x5] =	wrdreg s5  }
0xb5: {  	[dreg:$0x6] =	wrdreg $0x9  }
0xb6: {  	_ =	task.clear_ibuf [dreg:s10], $0x7FFFF;
	_ =	strace $0x90000046  }
0xb7: {  	s29 =	simm.s32 $0x9;
	_ =	strace $0x80000048  }
0xb8: {  	_ =	swait.ge [sflag:s29], $0x1  }
0xb9: {  	[sflag:s29] =	ssyncadd.s32 $0xFFFFFFFF  }
0xba: {  	_ =	strace $0x90000048  }
0xbb: {  	_ =	sfence  }
0xbc: {  	s30 =	sld [smem:$0x0];
	_ =	sdelay $0x2  }
0xbd: {  	s31 =	sshll.u32 s1, $0xD;
	s1 =	sshrl.u32 s1, $0x2  }
0xbe: {  	s3 =	sand.u32 $0x4000, s31;
	s1 =	sadd.s32 s1, s30  }
0xbf: {  	s0 =	sor.u32 s3, s0;
	s1 =	sshll.u32 s1, $0x11  }
0xc0: {  	s0 =	sor.u32 s1, s0  }
0xc1: {  	s0 =	sadd.s32 $0x8F2B, s0  }
0xc2: {  	[sflag:s0] =	ssyncadd.remote.s32 $0x1  }
0xc3: {  	_ =	sfence.sel $0xFFFF  }
0xc4: {  	[dreg:$0x0] =	wrdreg $0xFFFFFFFF;
	(pc) =	sbr.abs _section_cstart, $3  }
0xc5: {  	[dreg:$0x1] =	wrdreg $0xFFFFFFFF  }
0xc6: {  	_ =	task.clear_ibuf [dreg:s10], $0x2FFFF;
	_ =	strace $0x9FFFFFFF  }
0xc7: {  	(tm) =	ssettm $0x7FFFFFFF  }
tec
execute0_lowered:
.L_overlay_start_1:
0x0: {  	(tag) =	ssettag $0x1  }
0x1: {  	s0 =	rddreg [dreg:$0x0]  }
0x2: {  	s1 =	rddreg [dreg:$0x1]  }
0x3: {  	s2 =	rddreg [dreg:$0x3]  }
0x4: {  	s3 =	srdreg.scid;
	s4 =	simm.s32 $0x0;
	s6 =	stileid.u32  }
0x5: {  	s17 =	simm.s32 $0x5;
	s18 =	simm.s32 $0x880;
	s22 =	simm.s32 $0x2880  }
0x6: {  	s23 =	simm.s32 $0x3080;
	s24 =	simm.s32 $0x3880;
	s25 =	simm.s32 $0x4080  }
0x7: {  	s28 =	simm.s32 $0x10880;
	s29 =	simm.s32 $0x3;
	s30 =	simm.s32 $0x4  }
0x8: {  	s31 =	simm.s32 $0x0;
	s3 =	sand.u32 $0x1, s3;
	s6 =	sshll.u32 s6, $0x7  }
0x9: {  	[smem:$0x7FF] =	sst s4;
	s8 =	sadd.s32 $0x300, s1;
	s9 =	sadd.s32 $0x400, s1  }
0xa: {  	s10 =	sadd.s32 $0x500, s1;
	s11 =	sadd.s32 $0x600, s1;
	s5 =	ssub.s32 $0x2, s3  }
0xb: {  	s13 =	sadd.s32 $0x700, s1;
	s3 =	sshll.u32 s3, $0x6;
	s7 =	sshrl.u32 s5, $0x1  }
0xc: {  	_ =	strace $0x80000047;
	s3 =	sor.u32 s3, s6;
	s5 =	ssub.s32 s5, s7  }
0xd: {  	s6 =	sshrl.u32 s3, $0x3;
	s7 =	sadd.s32 $0x200, s1;
	s26 =	sshll.u32 s3, $0x8  }
0xe: {  	v2 =	vlaneseq.u32;
	s0 =	sadd.s32 s0, s6;
	s6 =	sadd.s32 $0x100, s1;
	s12 =	sadd.s32 s2, s26  }
0xf: {  	vm0 =	vmmov $0xffff;
	v1 =	vshrl.u32 v2, $0x3;
	s16 =	smax.u32 s5, $0x1;
	s26 =	simm.s32 $0x1;
	s2 =	simm.s32 $0x2  }
0x10: {  	v0 =	vand.u32 $0x7, v2;
	v2 =	vor.u32 $0x8, v2;
	v1 =	vmul.u32 $0x8, v1;
	[dreg:$0x5] =	wrdreg s0;
	s14 =	sadd.s32 $0x2000, s12;
	s15 =	sadd.s32 $0x3800, s12  }
.LBB2_1:
0x11: {  	s0 =	rddreg [dreg:$0x5]  }
0x12: {  	[tilespmem:s4], [sflag:$0x5] =	stream.linear.gather [hbm4b:s0+s4], $0x40, $0x38;
	[tilespmem:$0x1C880] =	vst v63  }
0x13: {  	_ =	swait.ge [sflag:s17], $0x40  }
0x14: {  	[sflag:s17] =	ssyncset.done $0x0  }
0x15: {  	[sflag:s17] =	ssyncadd.s32 $0xFFFFFFC0  }
0x16: {  	s0 =	simm.s32 $0x80;
	s3 =	rddreg [dreg:$0x2]  }
0x17: {  	[tilespmem:s0], [sflag:$0x5] =	stream.linear.gather [hbm4b:s3+s4], $0x800, $0x38;
	[tilespmem:$0x1C880] =	vst v63  }
0x18: {  	_ =	swait.ge [sflag:s17], $0x800  }
0x19: {  	[sflag:s17] =	ssyncset.done $0x0  }
0x1a: {  	[sflag:s17] =	ssyncadd.s32 $0xFFFFF800  }
0x1b: {  	v3 =	vld [tilespmem:$0x0];
	_ =	sdelay $0x4  }
0x1c: {  	v4 =	vshll.u32 v3, $0x4  }
0x1d: {  	v3 =	vand.u32 $0x7, v3;
	v4 =	vand.u32 $0xFFFFFF80, v4  }
0x1e: {  	v3 =	vor.u32 v3, v4  }
0x1f: {  	v4 =	vperm.xlane v3, v0;
	_ =	sdelay $0x1  }
0x20: {  	v4 =	vadd.s32 v1, v4;
	_ =	sdelay $0x4  }
0x21: {  	[tilespmem:s18], [sflag:$0x1] =	stream.indirect_vreg.gather [hbm4b:s1+s4], $0x80, v4, vm0, $0xb8;
	[tilespmem:$0x1C880] =	vst v63  }
0x22: {  	s19 =	simm.s32 $0x1080  }
0x23: {  	[tilespmem:s19], [sflag:$0x1] =	stream.indirect_vreg.gather [hbm4b:s6+s4], $0x80, v4, vm0, $0xb8;
	[tilespmem:$0x1C880] =	vst v63  }
0x24: {  	s20 =	simm.s32 $0x1880  }
0x25: {  	[tilespmem:s20], [sflag:$0x1] =	stream.indirect_vreg.gather [hbm4b:s7+s4], $0x80, v4, vm0, $0xb8;
	[tilespmem:$0x1C880] =	vst v63  }
0x26: {  	s21 =	simm.s32 $0x2080  }
0x27: {  	[tilespmem:s21], [sflag:$0x1] =	stream.indirect_vreg.gather [hbm4b:s8+s4], $0x80, v4, vm0, $0xb8;
	[tilespmem:$0x1C880] =	vst v63  }
0x28: {  	_ = 	snop  }
0x29: {  	[tilespmem:s22], [sflag:$0x1] =	stream.indirect_vreg.gather [hbm4b:s9+s4], $0x80, v4, vm0, $0xb8;
	[tilespmem:$0x1C880] =	vst v63  }
0x2a: {  	v3 =	vperm.xlane v3, v2  }
0x2b: {  	[tilespmem:s23], [sflag:$0x1] =	stream.indirect_vreg.gather [hbm4b:s10+s4], $0x80, v4, vm0, $0xb8;
	[tilespmem:$0x1C880] =	vst v63  }
0x2c: {  	v3 =	vadd.s32 v1, v3  }
0x2d: {  	[tilespmem:s24], [sflag:$0x1] =	stream.indirect_vreg.gather [hbm4b:s11+s4], $0x80, v4, vm0, $0xb8;
	[tilespmem:$0x1C880] =	vst v63  }
0x2e: {  	_ = 	snop  }
0x2f: {  	[tilespmem:s25], [sflag:$0x1] =	stream.indirect_vreg.gather [hbm4b:s13+s4], $0x80, v4, vm0, $0xb8;
	[tilespmem:$0x1C880] =	vst v63  }
0x30: {  	s5 =	simm.s32 $0x4880  }
0x31: {  	[tilespmem:s5], [sflag:$0x1] =	stream.indirect_vreg.gather [hbm4b:s1+s4], $0x80, v3, vm0, $0xb8;
	[tilespmem:$0x1C880] =	vst v63  }
0x32: {  	s19 =	simm.s32 $0x5080  }
0x33: {  	[tilespmem:s19], [sflag:$0x1] =	stream.indirect_vreg.gather [hbm4b:s6+s4], $0x80, v3, vm0, $0xb8;
	[tilespmem:$0x1C880] =	vst v63  }
0x34: {  	s20 =	simm.s32 $0x5880  }
0x35: {  	[tilespmem:s20], [sflag:$0x1] =	stream.indirect_vreg.gather [hbm4b:s7+s4], $0x80, v3, vm0, $0xb8;
	[tilespmem:$0x1C880] =	vst v63  }
0x36: {  	s21 =	simm.s32 $0x6080  }
0x37: {  	[tilespmem:s21], [sflag:$0x1] =	stream.indirect_vreg.gather [hbm4b:s8+s4], $0x80, v3, vm0, $0xb8;
	[tilespmem:$0x1C880] =	vst v63  }
0x38: {  	s5 =	simm.s32 $0x6880  }
0x39: {  	[tilespmem:s5], [sflag:$0x1] =	stream.indirect_vreg.gather [hbm4b:s9+s4], $0x80, v3, vm0, $0xb8;
	[tilespmem:$0x1C880] =	vst v63  }
0x3a: {  	s19 =	simm.s32 $0x7080  }
0x3b: {  	[tilespmem:s19], [sflag:$0x1] =	stream.indirect_vreg.gather [hbm4b:s10+s4], $0x80, v3, vm0, $0xb8;
	[tilespmem:$0x1C880] =	vst v63  }
0x3c: {  	s20 =	simm.s32 $0x7880  }
0x3d: {  	[tilespmem:s20], [sflag:$0x1] =	stream.indirect_vreg.gather [hbm4b:s11+s4], $0x80, v3, vm0, $0xb8;
	[tilespmem:$0x1C880] =	vst v63  }
0x3e: {  	s21 =	simm.s32 $0x8080  }
0x3f: {  	[tilespmem:s21], [sflag:$0x1] =	stream.indirect_vreg.gather [hbm4b:s13+s4], $0x80, v3, vm0, $0xb8;
	[tilespmem:$0x1C880] =	vst v63  }
0x40: {  	v3 =	vld [tilespmem:$0x10];
	_ =	sdelay $0x4  }
0x41: {  	v4 =	vshll.u32 v3, $0x4  }
0x42: {  	v3 =	vand.u32 $0x7, v3;
	v4 =	vand.u32 $0xFFFFFF80, v4  }
0x43: {  	v3 =	vor.u32 v3, v4  }
0x44: {  	v4 =	vperm.xlane v3, v0;
	_ =	sdelay $0x1  }
0x45: {  	v4 =	vadd.s32 v1, v4;
	_ =	sdelay $0x3  }
0x46: {  	s5 =	simm.s32 $0x8880  }
0x47: {  	[tilespmem:s5], [sflag:$0x1] =	stream.indirect_vreg.gather [hbm4b:s1+s4], $0x80, v4, vm0, $0xb8;
	[tilespmem:$0x1C880] =	vst v63  }
0x48: {  	s19 =	simm.s32 $0x9080  }
0x49: {  	[tilespmem:s19], [sflag:$0x1] =	stream.indirect_vreg.gather [hbm4b:s6+s4], $0x80, v4, vm0, $0xb8;
	[tilespmem:$0x1C880] =	vst v63  }
0x4a: {  	s20 =	simm.s32 $0x9880  }
0x4b: {  	[tilespmem:s20], [sflag:$0x1] =	stream.indirect_vreg.gather [hbm4b:s7+s4], $0x80, v4, vm0, $0xb8;
	[tilespmem:$0x1C880] =	vst v63  }
0x4c: {  	s21 =	simm.s32 $0xA080  }
0x4d: {  	[tilespmem:s21], [sflag:$0x1] =	stream.indirect_vreg.gather [hbm4b:s8+s4], $0x80, v4, vm0, $0xb8;
	[tilespmem:$0x1C880] =	vst v63  }
0x4e: {  	s5 =	simm.s32 $0xA880  }
0x4f: {  	[tilespmem:s5], [sflag:$0x1] =	stream.indirect_vreg.gather [hbm4b:s9+s4], $0x80, v4, vm0, $0xb8;
	[tilespmem:$0x1C880] =	vst v63  }
0x50: {  	v3 =	vperm.xlane v3, v2;
	s19 =	simm.s32 $0xB080  }
0x51: {  	[tilespmem:s19], [sflag:$0x1] =	stream.indirect_vreg.gather [hbm4b:s10+s4], $0x80, v4, vm0, $0xb8;
	[tilespmem:$0x1C880] =	vst v63  }
0x52: {  	v3 =	vadd.s32 v1, v3;
	s20 =	simm.s32 $0xB880  }
0x53: {  	[tilespmem:s20], [sflag:$0x1] =	stream.indirect_vreg.gather [hbm4b:s11+s4], $0x80, v4, vm0, $0xb8;
	[tilespmem:$0x1C880] =	vst v63  }
0x54: {  	s21 =	simm.s32 $0xC080  }
0x55: {  	[tilespmem:s21], [sflag:$0x1] =	stream.indirect_vreg.gather [hbm4b:s13+s4], $0x80, v4, vm0, $0xb8;
	[tilespmem:$0x1C880] =	vst v63  }
0x56: {  	s5 =	simm.s32 $0xC880  }
0x57: {  	[tilespmem:s5], [sflag:$0x1] =	stream.indirect_vreg.gather [hbm4b:s1+s4], $0x80, v3, vm0, $0xb8;
	[tilespmem:$0x1C880] =	vst v63  }
0x58: {  	s19 =	simm.s32 $0xD080  }
0x59: {  	[tilespmem:s19], [sflag:$0x1] =	stream.indirect_vreg.gather [hbm4b:s6+s4], $0x80, v3, vm0, $0xb8;
	[tilespmem:$0x1C880] =	vst v63  }
0x5a: {  	s20 =	simm.s32 $0xD880  }
0x5b: {  	[tilespmem:s20], [sflag:$0x1] =	stream.indirect_vreg.gather [hbm4b:s7+s4], $0x80, v3, vm0, $0xb8;
	[tilespmem:$0x1C880] =	vst v63  }
0x5c: {  	s21 =	simm.s32 $0xE080  }
0x5d: {  	[tilespmem:s21], [sflag:$0x1] =	stream.indirect_vreg.gather [hbm4b:s8+s4], $0x80, v3, vm0, $0xb8;
	[tilespmem:$0x1C880] =	vst v63  }
0x5e: {  	s5 =	simm.s32 $0xE880  }
0x5f: {  	[tilespmem:s5], [sflag:$0x1] =	stream.indirect_vreg.gather [hbm4b:s9+s4], $0x80, v3, vm0, $0xb8;
	[tilespmem:$0x1C880] =	vst v63  }
0x60: {  	s19 =	simm.s32 $0xF080  }
0x61: {  	[tilespmem:s19], [sflag:$0x1] =	stream.indirect_vreg.gather [hbm4b:s10+s4], $0x80, v3, vm0, $0xb8;
	[tilespmem:$0x1C880] =	vst v63  }
0x62: {  	s20 =	simm.s32 $0xF880  }
0x63: {  	[tilespmem:s20], [sflag:$0x1] =	stream.indirect_vreg.gather [hbm4b:s11+s4], $0x80, v3, vm0, $0xb8;
	[tilespmem:$0x1C880] =	vst v63  }
0x64: {  	s21 =	simm.s32 $0x10080  }
0x65: {  	[tilespmem:s21], [sflag:$0x1] =	stream.indirect_vreg.gather [hbm4b:s13+s4], $0x80, v3, vm0, $0xb8;
	[tilespmem:$0x1C880] =	vst v63  }
0x66: {  	_ =	swait.ge [sflag:s26], $0x10000  }
0x67: {  	[sflag:s26] =	ssyncset.done $0x0  }
0x68: {  	[sflag:s26] =	ssyncadd.s32 $0xFFFF0000  }
0x69: {  	v3 =	vld [tilespmem:$0x20];
	_ =	sdelay $0x4  }
0x6a: {  	v4 =	vshll.u32 v3, $0x4  }
0x6b: {  	v3 =	vand.u32 $0x7, v3;
	v4 =	vand.u32 $0xFFFFFF80, v4  }
0x6c: {  	v3 =	vor.u32 v3, v4  }
0x6d: {  	v4 =	vperm.xlane v3, v0;
	_ =	sdelay $0x1  }
0x6e: {  	v4 =	vadd.s32 v1, v4;
	_ =	sdelay $0x4  }
0x6f: {  	[tilespmem:s28], [sflag:$0x2] =	stream.indirect_vreg.gather [hbm4b:s1+s4], $0x80, v4, vm0, $0xb8;
	[tilespmem:$0x1C880] =	vst v63  }
0x70: {  	s5 =	simm.s32 $0x11080  }
0x71: {  	[tilespmem:s5], [sflag:$0x2] =	stream.indirect_vreg.gather [hbm4b:s6+s4], $0x80, v4, vm0, $0xb8;
	[tilespmem:$0x1C880] =	vst v63  }
0x72: {  	s19 =	simm.s32 $0x11880  }
0x73: {  	[tilespmem:s19], [sflag:$0x2] =	stream.indirect_vreg.gather [hbm4b:s7+s4], $0x80, v4, vm0, $0xb8;
	[tilespmem:$0x1C880] =	vst v63  }
0x74: {  	s20 =	simm.s32 $0x12080  }
0x75: {  	[tilespmem:s20], [sflag:$0x2] =	stream.indirect_vreg.gather [hbm4b:s8+s4], $0x80, v4, vm0, $0xb8;
	[tilespmem:$0x1C880] =	vst v63  }
0x76: {  	s21 =	simm.s32 $0x12880  }
0x77: {  	[tilespmem:s21], [sflag:$0x2] =	stream.indirect_vreg.gather [hbm4b:s9+s4], $0x80, v4, vm0, $0xb8;
	[tilespmem:$0x1C880] =	vst v63  }
0x78: {  	v3 =	vperm.xlane v3, v2;
	s5 =	simm.s32 $0x13080  }
0x79: {  	[tilespmem:s5], [sflag:$0x2] =	stream.indirect_vreg.gather [hbm4b:s10+s4], $0x80, v4, vm0, $0xb8;
	[tilespmem:$0x1C880] =	vst v63  }
0x7a: {  	v3 =	vadd.s32 v1, v3;
	s19 =	simm.s32 $0x13880  }
0x7b: {  	[tilespmem:s19], [sflag:$0x2] =	stream.indirect_vreg.gather [hbm4b:s11+s4], $0x80, v4, vm0, $0xb8;
	[tilespmem:$0x1C880] =	vst v63  }
0x7c: {  	s20 =	simm.s32 $0x14080  }
0x7d: {  	[tilespmem:s20], [sflag:$0x2] =	stream.indirect_vreg.gather [hbm4b:s13+s4], $0x80, v4, vm0, $0xb8;
	[tilespmem:$0x1C880] =	vst v63  }
0x7e: {  	s21 =	simm.s32 $0x14880  }
0x7f: {  	[tilespmem:s21], [sflag:$0x2] =	stream.indirect_vreg.gather [hbm4b:s1+s4], $0x80, v3, vm0, $0xb8;
	[tilespmem:$0x1C880] =	vst v63  }
0x80: {  	s5 =	simm.s32 $0x15080  }
0x81: {  	[tilespmem:s5], [sflag:$0x2] =	stream.indirect_vreg.gather [hbm4b:s6+s4], $0x80, v3, vm0, $0xb8;
	[tilespmem:$0x1C880] =	vst v63  }
0x82: {  	s19 =	simm.s32 $0x15880  }
0x83: {  	[tilespmem:s19], [sflag:$0x2] =	stream.indirect_vreg.gather [hbm4b:s7+s4], $0x80, v3, vm0, $0xb8;
	[tilespmem:$0x1C880] =	vst v63  }
0x84: {  	s20 =	simm.s32 $0x16080  }
0x85: {  	[tilespmem:s20], [sflag:$0x2] =	stream.indirect_vreg.gather [hbm4b:s8+s4], $0x80, v3, vm0, $0xb8;
	[tilespmem:$0x1C880] =	vst v63  }
0x86: {  	s21 =	simm.s32 $0x16880  }
0x87: {  	[tilespmem:s21], [sflag:$0x2] =	stream.indirect_vreg.gather [hbm4b:s9+s4], $0x80, v3, vm0, $0xb8;
	[tilespmem:$0x1C880] =	vst v63  }
0x88: {  	s5 =	simm.s32 $0x17080  }
0x89: {  	[tilespmem:s5], [sflag:$0x2] =	stream.indirect_vreg.gather [hbm4b:s10+s4], $0x80, v3, vm0, $0xb8;
	[tilespmem:$0x1C880] =	vst v63  }
0x8a: {  	s19 =	simm.s32 $0x17880  }
0x8b: {  	[tilespmem:s19], [sflag:$0x2] =	stream.indirect_vreg.gather [hbm4b:s11+s4], $0x80, v3, vm0, $0xb8;
	[tilespmem:$0x1C880] =	vst v63  }
0x8c: {  	s20 =	simm.s32 $0x18080  }
0x8d: {  	[tilespmem:s20], [sflag:$0x2] =	stream.indirect_vreg.gather [hbm4b:s13+s4], $0x80, v3, vm0, $0xb8;
	[tilespmem:$0x1C880] =	vst v63  }
0x8e: {  	v3 =	vld.msk [tilespmem:$0x30], $0xff;
	_ =	sdelay $0x4  }
0x8f: {  	v4 =	vshll.u32 v3, $0x4  }
0x90: {  	v3 =	vand.u32 $0x7, v3;
	v4 =	vand.u32 $0xFFFFFF80, v4  }
0x91: {  	v3 =	vor.u32 v3, v4  }
0x92: {  	v3 =	vperm.xlane v3, v0;
	_ =	sdelay $0x1  }
0x93: {  	v3 =	vadd.s32 v1, v3;
	_ =	sdelay $0x3  }
0x94: {  	s21 =	simm.s32 $0x18880  }
0x95: {  	[tilespmem:s21], [sflag:$0x2] =	stream.indirect_vreg.gather [hbm4b:s1+s4], $0x80, v3, vm0, $0xb8;
	[tilespmem:$0x1C880] =	vst v63  }
0x96: {  	s5 =	simm.s32 $0x19080  }
0x97: {  	[tilespmem:s5], [sflag:$0x2] =	stream.indirect_vreg.gather [hbm4b:s6+s4], $0x80, v3, vm0, $0xb8;
	[tilespmem:$0x1C880] =	vst v63  }
0x98: {  	s19 =	simm.s32 $0x19880  }
0x99: {  	[tilespmem:s19], [sflag:$0x2] =	stream.indirect_vreg.gather [hbm4b:s7+s4], $0x80, v3, vm0, $0xb8;
	[tilespmem:$0x1C880] =	vst v63  }
0x9a: {  	s20 =	simm.s32 $0x1A080  }
0x9b: {  	[tilespmem:s20], [sflag:$0x2] =	stream.indirect_vreg.gather [hbm4b:s8+s4], $0x80, v3, vm0, $0xb8;
	[tilespmem:$0x1C880] =	vst v63  }
0x9c: {  	s21 =	simm.s32 $0x1A880  }
0x9d: {  	[tilespmem:s21], [sflag:$0x2] =	stream.indirect_vreg.gather [hbm4b:s9+s4], $0x80, v3, vm0, $0xb8;
	[tilespmem:$0x1C880] =	vst v63  }
0x9e: {  	s5 =	simm.s32 $0x1B080  }
0x9f: {  	[tilespmem:s5], [sflag:$0x2] =	stream.indirect_vreg.gather [hbm4b:s10+s4], $0x80, v3, vm0, $0xb8;
	[tilespmem:$0x1C880] =	vst v63  }
0xa0: {  	s19 =	simm.s32 $0x1B880  }
0xa1: {  	[tilespmem:s19], [sflag:$0x2] =	stream.indirect_vreg.gather [hbm4b:s11+s4], $0x80, v3, vm0, $0xb8;
	[tilespmem:$0x1C880] =	vst v63  }
0xa2: {  	s20 =	simm.s32 $0x1C080;
	s21 =	sand.u32 $0x70, s4;
	s5 =	sand.u32 $0x3C00, s4  }
0xa3: {  	[tilespmem:s20], [sflag:$0x2] =	stream.indirect_vreg.gather [hbm4b:s13+s4], $0x80, v3, vm0, $0xb8;
	[tilespmem:$0x1C880] =	vst v63  }
0xa4: {  	s3 =	sor.u32 s21, s5;
	v3 =	vld [tilespmem:s0+$0x0]  }
0xa5: {  	v4 =	vld [tilespmem:s3+$0xCC00]  }
0xa6: {  	v10 =	vld [tilespmem:s3+$0xCA00]  }
0xa7: {  	v9 =	vld [tilespmem:s3+$0x8B00]  }
0xa8: {  	v8 =	vld [tilespmem:s3+$0xCB00]  }
0xa9: {  	v7 =	vld [tilespmem:s3+$0xC900];
	v3 =	vcvt.s32.f32 v3  }
0xaa: {  	v6 =	vld [tilespmem:s3+$0xC880]  }
0xab: {  	s5 =	simm.s32 $0x10;
	s19 =	simm.s32 $0x0;
	v5 =	vld [tilespmem:s3+$0x8C00];
	v10 =	vadd.f32 v3, v10;
	v4 =	vadd.f32 v3, v4  }
.LBB2_2:
0xac: {  	p0 =	sne.s32 s5, $0x7F0;
	v11 =	vld [tilespmem:s3+$0x4B00];
	v9 =	vadd.f32 v3, v9;
	s19 =	sadd.s32 $0x80, s19;
	s0 =	sadd.s32 $0x10, s0  }
0xad: {  	s20 =	smov.u32 s5;
	s5 =	sadd.s32 $0x10, s5;
	v12 =	vld [tilespmem:s3+$0x8A00];
	[tilespmem:s3+$0xCA00] =	vst v10;
	v8 =	vadd.f32 v3, v8  }
0xae: {  	v10 =	vld [tilespmem:s3+$0x8980];
	[tilespmem:s3+$0x8B00] =	vst v9;
	v7 =	vadd.f32 v3, v7  }
0xaf: {  	v9 =	vld [tilespmem:s3+$0x8900];
	v6 =	vadd.f32 v3, v6;
	[tilespmem:s3+$0xCB00] =	vst v8  }
0xb0: {  	v8 =	vld [tilespmem:s3+$0x8880];
	v5 =	vadd.f32 v3, v5;
	[tilespmem:s3+$0xC900] =	vst v7  }
0xb1: {  	v7 =	vadd.f32 v3, v11;
	v11 =	vld [tilespmem:s3+$0x4C00];
	[tilespmem:s3+$0xC880] =	vst v6  }
0xb2: {  	v6 =	vld [tilespmem:s3+$0x4B80];
	v12 =	vadd.f32 v3, v12;
	[tilespmem:s3+$0x8C00] =	vst v5  }
0xb3: {  	[tilespmem:s3+$0x4B00] =	vst v7;
	v5 =	vadd.f32 v3, v10;
	v7 =	vld [tilespmem:s3+$0x8B80]  }
0xb4: {  	v10 =	vld [tilespmem:s3+$0x4A80];
	v9 =	vadd.f32 v3, v9;
	[tilespmem:s3+$0x8A00] =	vst v12  }
0xb5: {  	v12 =	vld [tilespmem:s3+$0x4A00];
	v8 =	vadd.f32 v3, v8;
	[tilespmem:s3+$0x8980] =	vst v5  }
0xb6: {  	v5 =	vld [tilespmem:s3+$0x4980];
	v11 =	vadd.f32 v3, v11;
	[tilespmem:s3+$0x8900] =	vst v9  }
0xb7: {  	v9 =	vld [tilespmem:s3+$0x4900];
	v6 =	vadd.f32 v3, v6;
	[tilespmem:s3+$0x8880] =	vst v8  }
0xb8: {  	v8 =	vld [tilespmem:s3+$0xC00];
	[tilespmem:s3+$0x4C00] =	vst v11;
	v7 =	vadd.f32 v3, v7  }
0xb9: {  	v11 =	vld [tilespmem:s3+$0xB80];
	v10 =	vadd.f32 v3, v10;
	[tilespmem:s3+$0x4B80] =	vst v6  }
0xba: {  	v6 =	vadd.f32 v3, v12;
	[tilespmem:s3+$0x8B80] =	vst v7;
	v7 =	vld [tilespmem:s3+$0xCB80]  }
0xbb: {  	v12 =	vld [tilespmem:s3+$0xB00];
	v5 =	vadd.f32 v3, v5;
	[tilespmem:s3+$0x4A80] =	vst v10  }
0xbc: {  	v10 =	vld [tilespmem:s3+$0x880];
	v9 =	vadd.f32 v3, v9;
	[tilespmem:s3+$0x4A00] =	vst v6  }
0xbd: {  	v6 =	vld [tilespmem:s3+$0xA00];
	v8 =	vadd.f32 v3, v8;
	[tilespmem:s3+$0x4980] =	vst v5  }
0xbe: {  	v5 =	vadd.f32 v3, v11;
	[tilespmem:s3+$0x4900] =	vst v9;
	v9 =	vld [tilespmem:s3+$0xC980]  }
0xbf: {  	v11 =	vld [tilespmem:s3+$0x4880];
	v7 =	vadd.f32 v3, v7;
	[tilespmem:s3+$0xCC00] =	vst v4  }
0xc0: {  	v4 =	vld [tilespmem:s3+$0x980];
	v12 =	vadd.f32 v3, v12;
	[tilespmem:s3+$0xC00] =	vst v8  }
0xc1: {  	v8 =	vld [tilespmem:s3+$0x900]  }
0xc2: {  	v13 =	vld [tilespmem:s3+$0xCA80];
	[tilespmem:s3+$0xCB80] =	vst v7  }
0xc3: {  	v6 =	vadd.f32 v3, v6;
	[tilespmem:s3+$0xB80] =	vst v5;
	v5 =	vld [tilespmem:s3+$0x8A80]  }
0xc4: {  	v7 =	vadd.f32 v3, v10;
	v9 =	vadd.f32 v3, v9;
	v10 =	vld [tilespmem:s3+$0xA80];
	[tilespmem:s3+$0xB00] =	vst v12  }
0xc5: {  	v11 =	vadd.f32 v3, v11  }
0xc6: {  	v8 =	vadd.f32 v3, v8;
	[tilespmem:s3+$0xA00] =	vst v6  }
0xc7: {  	v4 =	vadd.f32 v3, v4;
	[tilespmem:s3+$0x880] =	vst v7  }
0xc8: {  	v6 =	vadd.f32 v3, v13;
	[tilespmem:s3+$0x4880] =	vst v11;
	v5 =	vadd.f32 v3, v5  }
0xc9: {  	[tilespmem:s3+$0x980] =	vst v4;
	v3 =	vadd.f32 v3, v10  }
0xca: {  	[tilespmem:s3+$0x8A80] =	vst v5  }
0xcb: {  	[tilespmem:s3+$0xA80] =	vst v3  }
0xcc: {  	[tilespmem:s3+$0xCA80] =	vst v6  }
0xcd: {  	[tilespmem:s3+$0x900] =	vst v8  }
0xce: {  	s20 =	sand.u32 $0x70, s20;
	s21 =	sand.u32 $0x3C00, s19;
	[tilespmem:s3+$0xC980] =	vst v9  }
0xcf: {  	s3 =	sor.u32 s20, s21;
	v3 =	vld [tilespmem:s0+$0x0]  }
0xd0: {  	v4 =	vld [tilespmem:s3+$0xCC00]  }
0xd1: {  	v10 =	vld [tilespmem:s3+$0xCA00]  }
.Ltmp0:
0xd2: {  	v9 =	vld [tilespmem:s3+$0x8B00];
	(pc) =	sbr.rel @p0 .LBB2_2-.Ltmp0, $4  }
0xd3: {  	v8 =	vld [tilespmem:s3+$0xCB00]  }
0xd4: {  	v3 =	vcvt.s32.f32 v3;
	v7 =	vld [tilespmem:s3+$0xC900]  }
0xd5: {  	v6 =	vld [tilespmem:s3+$0xC880]  }
0xd6: {  	v5 =	vld [tilespmem:s3+$0x8C00];
	v10 =	vadd.f32 v3, v10;
	v4 =	vadd.f32 v3, v4  }
0xd7: {  	v11 =	vld [tilespmem:s3+$0x4B00]  }
0xd8: {  	v12 =	vld [tilespmem:s3+$0x8A00];
	v9 =	vadd.f32 v3, v9;
	[tilespmem:s3+$0xCA00] =	vst v10  }
0xd9: {  	v61 =	vld [tilespmem:s3+$0x4A80];
	v8 =	vadd.f32 v3, v8;
	[tilespmem:s3+$0xCC00] =	vst v4  }
0xda: {  	v10 =	vld [tilespmem:s3+$0x8980];
	[tilespmem:s3+$0x8B00] =	vst v9;
	v7 =	vadd.f32 v3, v7  }
0xdb: {  	v4 =	vld [tilespmem:s3+$0x980];
	[tilespmem:s3+$0xCB00] =	vst v8;
	v6 =	vadd.f32 v3, v6  }
0xdc: {  	v9 =	vld [tilespmem:s3+$0x8900];
	[tilespmem:s3+$0xC900] =	vst v7;
	v5 =	vadd.f32 v3, v5  }
0xdd: {  	v8 =	vld [tilespmem:s3+$0x8880];
	[tilespmem:s3+$0xC880] =	vst v6;
	v6 =	vadd.f32 v3, v11  }
0xde: {  	v63 =	vld [tilespmem:s3+$0xA80];
	[tilespmem:s3+$0x8C00] =	vst v5;
	v5 =	vadd.f32 v3, v12  }
0xdf: {  	v11 =	vld [tilespmem:s3+$0x4B80];
	v10 =	vadd.f32 v3, v10;
	[tilespmem:s3+$0x4B00] =	vst v6  }
0xe0: {  	v7 =	vld [tilespmem:s3+$0x4C00];
	v4 =	vadd.f32 v3, v4;
	[tilespmem:s3+$0x8A00] =	vst v5  }
0xe1: {  	v6 =	vld [tilespmem:s3+$0x8B80];
	v9 =	vadd.f32 v3, v9;
	[tilespmem:s3+$0x8980] =	vst v10  }
0xe2: {  	v5 =	vld [tilespmem:s3+$0x4A00];
	v8 =	vadd.f32 v3, v8;
	[tilespmem:s3+$0x980] =	vst v4  }
0xe3: {  	v10 =	vld [tilespmem:s3+$0x4980];
	v4 =	vadd.f32 v3, v63;
	[tilespmem:s3+$0x8900] =	vst v9  }
0xe4: {  	[tilespmem:s3+$0x8880] =	vst v8;
	v8 =	vld [tilespmem:s3+$0xC00];
	v11 =	vadd.f32 v3, v11  }
0xe5: {  	v9 =	vld [tilespmem:s3+$0x4900];
	v7 =	vadd.f32 v3, v7;
	[tilespmem:s3+$0xA80] =	vst v4  }
0xe6: {  	v6 =	vadd.f32 v3, v6;
	[tilespmem:s3+$0x4B80] =	vst v11;
	v11 =	vld [tilespmem:s3+$0xCB80]  }
0xe7: {  	[tilespmem:s3+$0x4C00] =	vst v7;
	v7 =	vld [tilespmem:s3+$0xB80];
	v5 =	vadd.f32 v3, v5  }
0xe8: {  	[tilespmem:s3+$0x8B80] =	vst v6;
	v6 =	vadd.f32 v3, v61  }
0xe9: {  	v62 =	vld [tilespmem:s3+$0xB00];
	[tilespmem:s3+$0x4A00] =	vst v5;
	v8 =	vadd.f32 v3, v8  }
0xea: {  	v10 =	vadd.f32 v3, v10;
	v5 =	vadd.f32 v3, v9;
	v9 =	vld [tilespmem:s3+$0xA00];
	[tilespmem:s3+$0x4A80] =	vst v6  }
0xeb: {  	v6 =	vld [tilespmem:s3+$0x880];
	[tilespmem:s3+$0xC00] =	vst v8;
	v8 =	vadd.f32 v3, v11  }
0xec: {  	[tilespmem:s3+$0x4980] =	vst v10;
	v10 =	vld [tilespmem:s3+$0x4880];
	v7 =	vadd.f32 v3, v7  }
0xed: {  	[tilespmem:s3+$0xCB80] =	vst v8;
	v8 =	vld [tilespmem:s3+$0x8A80]  }
0xee: {  	v13 =	vld [tilespmem:s3+$0xCA80];
	[tilespmem:s3+$0xB80] =	vst v7;
	v7 =	vadd.f32 v3, v62  }
0xef: {  	[tilespmem:s3+$0x4900] =	vst v5;
	v11 =	vld [tilespmem:s3+$0x900];
	v9 =	vadd.f32 v3, v9  }
0xf0: {  	v5 =	vld [tilespmem:s3+$0xC980];
	[tilespmem:s3+$0xB00] =	vst v7;
	v6 =	vadd.f32 v3, v6  }
0xf1: {  	v7 =	vadd.f32 v3, v10;
	[tilespmem:s3+$0xA00] =	vst v9  }
0xf2: {  	[tilespmem:s3+$0x880] =	vst v6;
	v6 =	vadd.f32 v3, v8  }
0xf3: {  	[tilespmem:s3+$0x4880] =	vst v7;
	v7 =	vadd.f32 v3, v13  }
0xf4: {  	[tilespmem:s3+$0x8A80] =	vst v6;
	v6 =	vadd.f32 v3, v11  }
0xf5: {  	[tilespmem:s3+$0xCA80] =	vst v7;
	v3 =	vadd.f32 v3, v5  }
0xf6: {  	[tilespmem:s3+$0x900] =	vst v6  }
0xf7: {  	[tilespmem:s3+$0xC980] =	vst v3;
	s3 =	simm.s32 $0x0  }
0xf8: {  	[hbm4b:s12+s3] =	stream.linear.scatter [tilespmem:s18], [sflag:$0x3], $0x10000, $0x38;
	[tilespmem:$0x1C880] =	vst v63  }
0xf9: {  	_ =	swait.ge [sflag:s2], $0xC000  }
0xfa: {  	[sflag:s2] =	ssyncset.done $0x0  }
0xfb: {  	[sflag:s2] =	ssyncadd.s32 $0xFFFF4000  }
0xfc: {  	_ =	swait.ge [sflag:s29], $0x10000  }
0xfd: {  	[sflag:s29] =	ssyncset.done $0x0  }
0xfe: {  	[sflag:s29] =	ssyncadd.s32 $0xFFFF0000  }
0xff: {  	v3 =	vld.msk [tilespmem:$0x38], $0xff;
	_ =	sdelay $0x4  }
0x100: {  	v4 =	vshll.u32 v3, $0x4  }
0x101: {  	v3 =	vand.u32 $0x7, v3;
	v4 =	vand.u32 $0xFFFFFF80, v4  }
0x102: {  	v3 =	vor.u32 v3, v4  }
0x103: {  	v3 =	vperm.xlane v3, v0;
	_ =	sdelay $0x1  }
0x104: {  	v3 =	vadd.s32 v1, v3;
	_ =	sdelay $0x4  }
0x105: {  	[tilespmem:s18], [sflag:$0x1] =	stream.indirect_vreg.gather [hbm4b:s1+s3], $0x80, v3, vm0, $0xb8;
	[tilespmem:$0x1C880] =	vst v63  }
0x106: {  	s0 =	simm.s32 $0x1080  }
0x107: {  	[tilespmem:s0], [sflag:$0x1] =	stream.indirect_vreg.gather [hbm4b:s6+s3], $0x80, v3, vm0, $0xb8;
	[tilespmem:$0x1C880] =	vst v63  }
0x108: {  	s19 =	simm.s32 $0x1880  }
0x109: {  	[tilespmem:s19], [sflag:$0x1] =	stream.indirect_vreg.gather [hbm4b:s7+s3], $0x80, v3, vm0, $0xb8;
	[tilespmem:$0x1C880] =	vst v63  }
0x10a: {  	s20 =	simm.s32 $0x2080  }
0x10b: {  	[tilespmem:s20], [sflag:$0x1] =	stream.indirect_vreg.gather [hbm4b:s8+s3], $0x80, v3, vm0, $0xb8;
	[tilespmem:$0x1C880] =	vst v63  }
0x10c: {  	_ = 	snop  }
0x10d: {  	[tilespmem:s22], [sflag:$0x1] =	stream.indirect_vreg.gather [hbm4b:s9+s3], $0x80, v3, vm0, $0xb8;
	[tilespmem:$0x1C880] =	vst v63  }
0x10e: {  	_ = 	snop  }
0x10f: {  	[tilespmem:s23], [sflag:$0x1] =	stream.indirect_vreg.gather [hbm4b:s10+s3], $0x80, v3, vm0, $0xb8;
	[tilespmem:$0x1C880] =	vst v63  }
0x110: {  	s21 =	sand.u32 $0x70, s3;
	s5 =	sand.u32 $0x3C00, s3  }
0x111: {  	[tilespmem:s24], [sflag:$0x1] =	stream.indirect_vreg.gather [hbm4b:s11+s3], $0x80, v3, vm0, $0xb8;
	[tilespmem:$0x1C880] =	vst v63  }
0x112: {  	s0 =	sor.u32 s21, s5  }
0x113: {  	[tilespmem:s25], [sflag:$0x1] =	stream.indirect_vreg.gather [hbm4b:s13+s3], $0x80, v3, vm0, $0xb8;
	[tilespmem:$0x1C880] =	vst v63  }
0x114: {  	v9 =	vld [tilespmem:s0+$0x14A80]  }
0x115: {  	v4 =	vld [tilespmem:s0+$0x18C00]  }
0x116: {  	v8 =	vld [tilespmem:s0+$0x18B00]  }
0x117: {  	v7 =	vld [tilespmem:s0+$0x18980]  }
0x118: {  	v3 =	vld [tilespmem:s0+$0x18B80]  }
0x119: {  	v6 =	vld [tilespmem:s0+$0x18880]  }
0x11a: {  	s5 =	simm.s32 $0x80;
	s19 =	simm.s32 $0x10;
	v5 =	vld [tilespmem:s0+$0x18900]  }
.LBB2_4:
0x11b: {  	p0 =	sne.s32 s19, $0x7F0;
	v10 =	vld [tilespmem:s5+$0x0];
	s3 =	sadd.s32 $0x80, s3;
	s5 =	sadd.s32 $0x10, s5  }
0x11c: {  	s20 =	smov.u32 s19;
	s19 =	sadd.s32 $0x10, s19;
	v11 =	vld [tilespmem:s0+$0x14C00]  }
0x11d: {  	v12 =	vld [tilespmem:s0+$0x14B00]  }
0x11e: {  	v13 =	vld [tilespmem:s0+$0x14A00]  }
0x11f: {  	v14 =	vld [tilespmem:s0+$0x14980]  }
0x120: {  	v10 =	vcvt.s32.f32 v10;
	v15 =	vld [tilespmem:s0+$0x14900]  }
0x121: {  	v16 =	vld [tilespmem:s0+$0x10C00]  }
0x122: {  	v17 =	vld [tilespmem:s0+$0x10A00];
	v9 =	vadd.f32 v10, v9  }
0x123: {  	v12 =	vadd.f32 v10, v12;
	v8 =	vadd.f32 v10, v8;
	v18 =	vld [tilespmem:s0+$0x10B80]  }
0x124: {  	v13 =	vadd.f32 v10, v13;
	v19 =	vld [tilespmem:s0+$0x10900];
	[tilespmem:s0+$0x14A80] =	vst v9;
	v9 =	vadd.f32 v10, v11  }
0x125: {  	v7 =	vadd.f32 v10, v7;
	v11 =	vld [tilespmem:s0+$0x10B00];
	v15 =	vadd.f32 v10, v15;
	[tilespmem:s0+$0x14B00] =	vst v12  }
0x126: {  	v6 =	vadd.f32 v10, v6;
	v12 =	vld [tilespmem:s0+$0x10A80];
	v16 =	vadd.f32 v10, v16;
	[tilespmem:s0+$0x14A00] =	vst v13  }
0x127: {  	v5 =	vadd.f32 v10, v5;
	v4 =	vadd.f32 v10, v4;
	v13 =	vld [tilespmem:s0+$0x10880];
	[tilespmem:s0+$0x18B00] =	vst v8  }
0x128: {  	v3 =	vadd.f32 v10, v3;
	v14 =	vadd.f32 v10, v14;
	v8 =	vld [tilespmem:s0+$0x14880];
	[tilespmem:s0+$0x14900] =	vst v15  }
0x129: {  	v17 =	vadd.f32 v10, v17;
	v18 =	vadd.f32 v10, v18;
	v15 =	vld [tilespmem:s0+$0x10980];
	[tilespmem:s0+$0x10C00] =	vst v16  }
0x12a: {  	v16 =	vadd.f32 v10, v19;
	[tilespmem:s0+$0x14C00] =	vst v9;
	v9 =	vld [tilespmem:s0+$0x18A80]  }
0x12b: {  	v11 =	vadd.f32 v10, v11;
	v19 =	vld [tilespmem:s0+$0x14B80];
	[tilespmem:s0+$0x18C00] =	vst v4  }
0x12c: {  	v4 =	vadd.f32 v10, v12;
	[tilespmem:s0+$0x14980] =	vst v14;
	v12 =	vld [tilespmem:s0+$0x18A00]  }
0x12d: {  	v13 =	vadd.f32 v10, v13;
	v8 =	vadd.f32 v10, v8;
	[tilespmem:s0+$0x18980] =	vst v7  }
0x12e: {  	[tilespmem:s0+$0x10A00] =	vst v17  }
0x12f: {  	v14 =	vadd.f32 v10, v15;
	[tilespmem:s0+$0x18880] =	vst v6;
	v6 =	vadd.f32 v10, v9  }
0x130: {  	[tilespmem:s0+$0x10B80] =	vst v18;
	v15 =	vadd.f32 v10, v19  }
0x131: {  	[tilespmem:s0+$0x18900] =	vst v5;
	v5 =	vadd.f32 v10, v12  }
0x132: {  	[tilespmem:s0+$0x18B80] =	vst v3  }
0x133: {  	s20 =	sand.u32 $0x70, s20;
	s21 =	sand.u32 $0x3C00, s3;
	[tilespmem:s0+$0x10B00] =	vst v11  }
0x134: {  	s20 =	sor.u32 s20, s21;
	[tilespmem:s0+$0x10A80] =	vst v4  }
0x135: {  	v9 =	vld [tilespmem:s20+$0x14A80];
	[tilespmem:s0+$0x14880] =	vst v8  }
0x136: {  	v4 =	vld [tilespmem:s20+$0x18C00];
	[tilespmem:s0+$0x10900] =	vst v16  }
.Ltmp1:
0x137: {  	v8 =	vld [tilespmem:s20+$0x18B00];
	[tilespmem:s0+$0x18A80] =	vst v6;
	(pc) =	sbr.rel @p0 .LBB2_4-.Ltmp1, $4  }
0x138: {  	v7 =	vld [tilespmem:s20+$0x18980];
	[tilespmem:s0+$0x14B80] =	vst v15  }
0x139: {  	v3 =	vld [tilespmem:s20+$0x18B80];
	[tilespmem:s0+$0x10980] =	vst v14  }
0x13a: {  	v6 =	vld [tilespmem:s20+$0x18880];
	[tilespmem:s0+$0x18A00] =	vst v5  }
0x13b: {  	v5 =	vld [tilespmem:s20+$0x18900];
	[tilespmem:s0+$0x10880] =	vst v13;
	s0 =	smov.u32 s20  }
0x13c: {  	v10 =	vld [tilespmem:s5+$0x0];
	_ =	sdelay $0x2  }
0x13d: {  	v12 =	vld [tilespmem:s0+$0x14B00]  }
0x13e: {  	v13 =	vld [tilespmem:s0+$0x14A00]  }
0x13f: {  	v10 =	vcvt.s32.f32 v10  }
0x140: {  	v15 =	vld [tilespmem:s0+$0x14900]  }
0x141: {  	v16 =	vld [tilespmem:s0+$0x10C00];
	v9 =	vadd.f32 v10, v9  }
0x142: {  	v11 =	vld [tilespmem:s0+$0x14C00];
	v12 =	vadd.f32 v10, v12  }
0x143: {  	v13 =	vadd.f32 v10, v13;
	[tilespmem:s0+$0x14A80] =	vst v9  }
0x144: {  	v14 =	vld [tilespmem:s0+$0x14980];
	v8 =	vadd.f32 v10, v8;
	[tilespmem:s0+$0x14B00] =	vst v12  }
0x145: {  	v15 =	vadd.f32 v10, v15;
	[tilespmem:s0+$0x14A00] =	vst v13  }
0x146: {  	v16 =	vadd.f32 v10, v16;
	[tilespmem:s0+$0x18B00] =	vst v8  }
0x147: {  	v11 =	vadd.f32 v10, v11;
	[tilespmem:s0+$0x14900] =	vst v15  }
0x148: {  	v4 =	vadd.f32 v10, v4;
	[tilespmem:s0+$0x10C00] =	vst v16  }
0x149: {  	v17 =	vld [tilespmem:s0+$0x10A00];
	v14 =	vadd.f32 v10, v14;
	[tilespmem:s0+$0x14C00] =	vst v11  }
0x14a: {  	v18 =	vld [tilespmem:s0+$0x10B80];
	v6 =	vadd.f32 v10, v6;
	[tilespmem:s0+$0x18C00] =	vst v4  }
0x14b: {  	v59 =	vld [tilespmem:s0+$0x10A80];
	v5 =	vadd.f32 v10, v5;
	[tilespmem:s0+$0x14980] =	vst v14  }
0x14c: {  	v3 =	vadd.f32 v10, v3;
	v9 =	vld [tilespmem:s0+$0x10B00];
	[tilespmem:s0+$0x18880] =	vst v6  }
0x14d: {  	v8 =	vld [tilespmem:s0+$0x14880];
	v4 =	vadd.f32 v10, v7;
	[tilespmem:s0+$0x18900] =	vst v5  }
0x14e: {  	v11 =	vld [tilespmem:s0+$0x18A80];
	v7 =	vadd.f32 v10, v17;
	[tilespmem:s0+$0x18B80] =	vst v3  }
0x14f: {  	v19 =	vld [tilespmem:s0+$0x10900];
	[tilespmem:s0+$0x18980] =	vst v4;
	v4 =	vadd.f32 v10, v18  }
0x150: {  	v62 =	vld [tilespmem:s0+$0x14B80];
	v5 =	vadd.f32 v10, v59;
	[tilespmem:s0+$0x10A00] =	vst v7  }
0x151: {  	v63 =	vld [tilespmem:s0+$0x18A00];
	[tilespmem:s0+$0x10B80] =	vst v4;
	v4 =	vadd.f32 v10, v9  }
0x152: {  	v61 =	vld [tilespmem:s0+$0x10980];
	[tilespmem:s0+$0x10A80] =	vst v5;
	v3 =	vadd.f32 v10, v8  }
0x153: {  	v60 =	vld [tilespmem:s0+$0x10880];
	v5 =	vadd.f32 v10, v11;
	[tilespmem:s0+$0x10B00] =	vst v4  }
0x154: {  	v4 =	vadd.f32 v10, v19;
	[tilespmem:s0+$0x14880] =	vst v3  }
0x155: {  	v3 =	vadd.f32 v10, v62;
	[tilespmem:s0+$0x18A80] =	vst v5  }
0x156: {  	v5 =	vadd.f32 v10, v63;
	[tilespmem:s0+$0x10900] =	vst v4  }
0x157: {  	v4 =	vadd.f32 v10, v61;
	[tilespmem:s0+$0x14B80] =	vst v3  }
0x158: {  	v3 =	vadd.f32 v10, v60;
	[tilespmem:s0+$0x18A00] =	vst v5  }
0x159: {  	[tilespmem:s0+$0x10980] =	vst v4  }
0x15a: {  	s3 =	simm.s32 $0x0;
	[tilespmem:s0+$0x10880] =	vst v3  }
0x15b: {  	[hbm4b:s14+s3] =	stream.linear.scatter [tilespmem:s28], [sflag:$0x4], $0xC000, $0x38;
	[tilespmem:$0x1C880] =	vst v63  }
0x15c: {  	_ =	swait.ge [sflag:s26], $0x4000  }
0x15d: {  	s5 =	simm.s32 $0x80;
	[sflag:s26] =	ssyncset.done $0x0  }
0x15e: {  	s21 =	sand.u32 $0x70, s3;
	s19 =	sand.u32 $0x3C00, s3;
	[sflag:s26] =	ssyncadd.s32 $0xFFFFC000  }
0x15f: {  	s0 =	sor.u32 s21, s19;
	v3 =	vld [tilespmem:s5+$0x0]  }
0x160: {  	v9 =	vld [tilespmem:s0+$0xC00]  }
0x161: {  	v10 =	vld [tilespmem:s0+$0xA00]  }
0x162: {  	v5 =	vld [tilespmem:s0+$0xB80]  }
0x163: {  	v8 =	vld [tilespmem:s0+$0xB00]  }
0x164: {  	v4 =	vld [tilespmem:s0+$0xA80];
	v3 =	vcvt.s32.f32 v3  }
0x165: {  	v7 =	vld [tilespmem:s0+$0x980]  }
0x166: {  	s19 =	simm.s32 $0x10;
	v6 =	vld [tilespmem:s0+$0x880];
	v10 =	vadd.f32 v3, v10;
	v9 =	vadd.f32 v3, v9  }
.LBB2_6:
0x167: {  	p0 =	sne.s32 s19, $0x7F0;
	v11 =	vld [tilespmem:s0+$0x900];
	s3 =	sadd.s32 $0x80, s3;
	s5 =	sadd.s32 $0x10, s5  }
0x168: {  	s20 =	smov.u32 s19;
	s19 =	sadd.s32 $0x10, s19;
	[tilespmem:s0+$0xA00] =	vst v10;
	v8 =	vadd.f32 v3, v8  }
0x169: {  	v5 =	vadd.f32 v3, v5;
	[tilespmem:s0+$0xC00] =	vst v9  }
0x16a: {  	v4 =	vadd.f32 v3, v4;
	v7 =	vadd.f32 v3, v7;
	[tilespmem:s0+$0xB00] =	vst v8  }
0x16b: {  	v6 =	vadd.f32 v3, v6;
	[tilespmem:s0+$0xB80] =	vst v5  }
0x16c: {  	v3 =	vadd.f32 v3, v11;
	[tilespmem:s0+$0x980] =	vst v7  }
0x16d: {  	[tilespmem:s0+$0x880] =	vst v6  }
0x16e: {  	[tilespmem:s0+$0x900] =	vst v3  }
0x16f: {  	s20 =	sand.u32 $0x70, s20;
	s21 =	sand.u32 $0x3C00, s3;
	[tilespmem:s0+$0xA80] =	vst v4  }
0x170: {  	s0 =	sor.u32 s20, s21;
	v3 =	vld [tilespmem:s5+$0x0]  }
0x171: {  	v9 =	vld [tilespmem:s0+$0xC00]  }
0x172: {  	v10 =	vld [tilespmem:s0+$0xA00]  }
.Ltmp2:
0x173: {  	v5 =	vld [tilespmem:s0+$0xB80];
	(pc) =	sbr.rel @p0 .LBB2_6-.Ltmp2, $4  }
0x174: {  	v8 =	vld [tilespmem:s0+$0xB00]  }
0x175: {  	v3 =	vcvt.s32.f32 v3;
	v4 =	vld [tilespmem:s0+$0xA80]  }
0x176: {  	v7 =	vld [tilespmem:s0+$0x980]  }
0x177: {  	v6 =	vld [tilespmem:s0+$0x880];
	v10 =	vadd.f32 v3, v10;
	v9 =	vadd.f32 v3, v9  }
0x178: {  	v11 =	vld [tilespmem:s0+$0x900]  }
0x179: {  	v5 =	vadd.f32 v3, v5;
	[tilespmem:s0+$0xA00] =	vst v10  }
0x17a: {  	v8 =	vadd.f32 v3, v8;
	[tilespmem:s0+$0xC00] =	vst v9  }
0x17b: {  	[tilespmem:s0+$0xB80] =	vst v5;
	v7 =	vadd.f32 v3, v7  }
0x17c: {  	[tilespmem:s0+$0xB00] =	vst v8;
	v6 =	vadd.f32 v3, v6  }
0x17d: {  	v63 =	vadd.f32 v3, v11;
	[tilespmem:s0+$0x980] =	vst v7  }
0x17e: {  	v3 =	vadd.f32 v3, v4;
	[tilespmem:s0+$0x880] =	vst v6  }
0x17f: {  	[tilespmem:s0+$0x900] =	vst v63  }
0x180: {  	s31 =	sadd.s32 $0x1, s31;
	[tilespmem:s0+$0xA80] =	vst v3  }
0x181: {  	[hbm4b:s15+s4] =	stream.linear.scatter [tilespmem:s18], [sflag:$0x3], $0x4000, $0x38;
	[tilespmem:$0x1C880] =	vst v63  }
0x182: {  	p0 =	sne.s32 s31, s16;
	_ =	swait.ge [sflag:s29], $0x4000  }
.Ltmp3:
0x183: {  	[sflag:s29] =	ssyncset.done $0x0;
	(pc) =	sbr.rel @p0 .LBB2_1-.Ltmp3, $4  }
0x184: {  	[sflag:s29] =	ssyncadd.s32 $0xFFFFC000  }
0x185: {  	_ =	swait.ge [sflag:s30], $0xC000  }
0x186: {  	[sflag:s30] =	ssyncset.done $0x0  }
0x187: {  	[sflag:s30] =	ssyncadd.s32 $0xFFFF4000  }
0x188: {  	_ =	sfence.sel $0x180000  }
0x189: {  	[bflag:$0x0] =	sbarrier.arrive $0xFFFF  }
0x18a: {  	_ =	strace $0x90000047  }
0x18b: {  	s0 =	stileid.u32;
	[bflag:$0x2] =	sbarrier.arrive $0xFFFF  }
0x18c: {  	p0 =	sne.s32 s0, $0x0;
	s0 =	rddreg [dreg:$0x4]  }
0x18d: {  	s0 =	sadd.s32 @!p0 $0x100000, s0  }
0x18e: {  	[sflag:s0] =	ssyncadd.tile.s32 @!p0 $0x1;
	_ =	shalt  }
.Lfunc_end2:
_tile_overlayer_lowered:
.L_overlay_start_2:
0x18f: {  	(tag) =	ssettag $0x2  }
0x190: {  	s0 =	rddreg [dreg:$0x0];
	s2 =	stileid.u32  }
0x191: {  	s1 =	rddreg [dreg:$0x1];
	p0 =	sne.s32 s2, $0x0  }
0x192: {  	s3 =	rddreg [dreg:$0x2];
	[bflag:$0x3] =	sbarrier.arrive $0xFFFF;
	s2 =	simm.s32 @!p0 $0x1C05  }
0x193: {  	[timem:s3], [sflag:s2] =	dma.local @!p0 [hbm:s0], s1  }
0x194: {  	s0 =	simm.s32 @!p0 $0x5  }
0x195: {  	_ =	swait.ge @!p0 [sflag:s0], s1  }
0x196: {  	s1 =	ssub.s32 @!p0 $0x0, s1;
	[sflag:s0] =	ssyncset.done @!p0 $0x0  }
0x197: {  	[sflag:s0] =	ssyncadd.s32 @!p0 s1  }
0x198: {  	[bflag:$0x3] =	sbarrier.arrive $0xFFFF  }
0x199: {  	_ =	shalt  }

</sc_bundles>
